<compile_context>
chip_gen: v7x
topology: tpu7x:2x2x1
jax: 0.10.2.dev20260603
libtpu: 0.0.44.dev20260713+nightly
codegen_flags: <defaults>
</compile_context>

<pallas_src>
import functools

import jax
import jax.numpy as jnp
from jax import lax
from jax.experimental import pallas as pl
from jax.experimental.pallas import tpu as pltpu
from jax.experimental.pallas import tpu_sc as plsc

N = 10000
E = 320000
D = 128

NC = 2
NS = 16
NW = NC * NS
EPW = E // NW
K = 40
NCHUNK = EPW // K
NB = 5
GRP = 49
ACC_ROWS = 10240
ZPT = ACC_ROWS // NS

BR = 400
GRID = N // BR

_mesh = plsc.VectorSubcoreMesh(core_axis_name="c", subcore_axis_name="s")


@functools.partial(
    pl.kernel,
    mesh=_mesh,
    compiler_params=pltpu.CompilerParams(needs_layout_passes=False),
    out_type=jax.ShapeDtypeStruct((NW, N), jnp.float32),
    scratch_types=[
        pltpu.VMEM((N,), jnp.float32),
        pltpu.VMEM((EPW,), jnp.int32),
        pltpu.VMEM((EPW,), jnp.int32),
    ],
)
def _deg_kernel(row_hbm, col_hbm, hist_hbm, hist_v, row_v, col_v):
    wid = lax.axis_index("s") * NC + lax.axis_index("c")
    base = wid * EPW
    pltpu.sync_copy(row_hbm.at[pl.ds(base, EPW)], row_v)
    pltpu.sync_copy(col_hbm.at[pl.ds(base, EPW)], col_v)

    zv = jnp.zeros((16,), jnp.float32)

    def zbody(i, t):
        hist_v[pl.ds(i * 16, 16)] = zv
        return t

    lax.fori_loop(0, N // 16, zbody, 0)

    ones = jnp.ones((16,), jnp.float32)
    zero = jnp.zeros((16,), jnp.float32)

    def ebody(i, t):
        r = row_v[pl.ds(i * 16, 16)]
        c = col_v[pl.ds(i * 16, 16)]
        val = jnp.where(r == c, zero, ones)
        plsc.addupdate_scatter(hist_v, [r], val)
        return t

    lax.fori_loop(0, EPW // 16, ebody, 0)
    pltpu.sync_copy(hist_v, hist_hbm.at[wid])


def _norm_body(x_ref, w_ref, hist_ref, m_ref):
    h = jnp.dot(x_ref[...], w_ref[...], preferred_element_type=jnp.float32)
    deg = jnp.sum(hist_ref[...], axis=1) + 1.0
    dinv = lax.rsqrt(deg)
    m_ref[...] = h * dinv[:, None]


@functools.partial(
    pl.kernel,
    mesh=_mesh,
    compiler_params=pltpu.CompilerParams(needs_layout_passes=False),
    out_type=jax.ShapeDtypeStruct((NC, ACC_ROWS, D), jnp.float32),
    scratch_types=[
        pltpu.VMEM_SHARED((ACC_ROWS, D), jnp.float32),
        pltpu.VMEM((EPW,), jnp.int32),
        pltpu.VMEM((EPW,), jnp.int32),
        [pltpu.VMEM((K, D), jnp.float32)] * NB,
        [pltpu.SemaphoreType.DMA] * NB,
        pltpu.SemaphoreType.DMA,
    ],
)
def _edge_kernel(m_hbm, row_hbm, col_hbm, outp_hbm,
                 acc_s, row_v, col_v, gbufs, gsems, isem):
    cid = lax.axis_index("c")
    sid = lax.axis_index("s")
    wid = sid * NC + cid

    idx_row = pltpu.async_copy(row_hbm.at[wid], row_v, isem)
    idx_col = pltpu.async_copy(col_hbm.at[wid], col_v, isem)

    zv = jnp.zeros((16,), jnp.float32)

    def zb(i, t):
        gbufs[0][i // 8, pl.ds((i % 8) * 16, 16)] = zv
        return t

    lax.fori_loop(0, K * (D // 16), zb, 0)

    for i in range(ZPT // K):
        pltpu.async_copy(gbufs[0], acc_s.at[pl.ds(sid * ZPT + i * K, K)],
                         gsems[i % NB])
    for i in range(ZPT // K):
        pltpu.make_async_copy(
            gbufs[0], acc_s.at[pl.ds(sid * ZPT + i * K, K)],
            gsems[i % NB]).wait()

    idx_row.wait()
    idx_col.wait()
    plsc.subcore_barrier()

    for b in range(NB):
        pltpu.async_copy(m_hbm.at[row_v.at[pl.ds(b * K, K)]],
                         gbufs[b], gsems[b])

    def group(g, t):
        for b in range(NB):
            ci = g * NB + b
            pltpu.make_async_copy(m_hbm.at[row_v.at[pl.ds(0, K)]],
                                  gbufs[b], gsems[b]).wait()
            pltpu.sync_copy(gbufs[b],
                            acc_s.at[col_v.at[pl.ds(ci * K, K)]], add=True)
            pltpu.async_copy(m_hbm.at[row_v.at[pl.ds((ci + NB) * K, K)]],
                             gbufs[b], gsems[b])
        return t

    lax.fori_loop(0, GRP, group, 0)

    for ci in range(GRP * NB, NCHUNK):
        b = ci % NB
        pltpu.make_async_copy(m_hbm.at[row_v.at[pl.ds(0, K)]],
                              gbufs[b], gsems[b]).wait()
        pltpu.sync_copy(gbufs[b],
                        acc_s.at[col_v.at[pl.ds(ci * K, K)]], add=True)
        if ci + NB < NCHUNK:
            pltpu.async_copy(m_hbm.at[row_v.at[pl.ds((ci + NB) * K, K)]],
                             gbufs[b], gsems[b])

    plsc.subcore_barrier()
    pltpu.sync_copy(acc_s.at[pl.ds(sid * ZPT, ZPT)],
                    outp_hbm.at[cid, pl.ds(sid * ZPT, ZPT)])


def _final_body(p_ref, m_ref, hist_ref, b_ref, o_ref):
    deg = jnp.sum(hist_ref[...], axis=1) + 1.0
    dinv = lax.rsqrt(deg)
    s = p_ref[0] + p_ref[1] + m_ref[...]
    o_ref[...] = dinv[:, None] * s + b_ref[...]


def kernel(x, edge_index, W, b):
    row = edge_index[0].astype(jnp.int32)
    col = edge_index[1].astype(jnp.int32)

    hist = _deg_kernel(row, col).T

    m = pl.pallas_call(
        _norm_body,
        grid=(GRID,),
        in_specs=[
            pl.BlockSpec((BR, D), lambda r: (r, 0)),
            pl.BlockSpec((D, D), lambda r: (0, 0)),
            pl.BlockSpec((BR, NW), lambda r: (r, 0)),
        ],
        out_specs=pl.BlockSpec((BR, D), lambda r: (r, 0)),
        out_shape=jax.ShapeDtypeStruct((N, D), jnp.float32),
    )(x, W, hist)

    trash = N + (jnp.arange(E, dtype=jnp.int32) % (ACC_ROWS - N))
    col_adj = jnp.where(row == col, trash, col)
    partials = _edge_kernel(m, row.reshape(NW, EPW),
                            col_adj.reshape(NW, EPW))

    out = pl.pallas_call(
        _final_body,
        grid=(GRID,),
        in_specs=[
            pl.BlockSpec((NC, BR, D), lambda r: (0, r, 0)),
            pl.BlockSpec((BR, D), lambda r: (r, 0)),
            pl.BlockSpec((BR, NW), lambda r: (r, 0)),
            pl.BlockSpec((1, D), lambda r: (0, 0)),
        ],
        out_specs=pl.BlockSpec((BR, D), lambda r: (r, 0)),
        out_shape=jax.ShapeDtypeStruct((N, D), jnp.float32),
    )(partials, m, hist, b[None, :])

    return out

# --- scband reference (transcript-rebuilt; emitter-appended) ---
"""Pipeline reference for scband-res-gcn-12824772345977 (READ-ONLY COPY).

The authoritative reference and input builder live on the scoring server;
editing this copy changes nothing except your own understanding.
"""

import jax, jax.numpy as jnp
import numpy as np

N_NODES = 10000
N_EDGES = 320000
D_IN = 128
D_OUT = 128

def setup_inputs(seed: int = 0) -> dict:
    key = jax.random.key(seed)
    k1, k2, k3, k4 = jax.random.split(key, 4)
    x = jax.random.normal(k1, (N_NODES, D_IN), dtype=jnp.float32)
    edge_index = jax.random.randint(k2, (2, N_EDGES), 0, N_NODES, dtype=jnp.int64)
    # Glorot-uniform weight, zero bias (matches GCNConv.reset_parameters)
    limit = float(np.sqrt(6.0 / (D_IN + D_OUT)))
    W = jax.random.uniform(k3, (D_IN, D_OUT), dtype=jnp.float32, minval=-limit, maxval=limit)
    b = jnp.zeros((D_OUT,), dtype=jnp.float32)
    return {"x": x, "edge_index": edge_index, "W": W, "b": b}

def reference(x, edge_index, W, b):
    # GCNConv forward (edge_norm=True, improved=False, gfn=False)
    N = x.shape[0]
    h = jnp.matmul(x, W)
    row = edge_index[0]
    col = edge_index[1]
    # remove_self_loops: zero out weight of self-loop edges (math-equivalent,
    # keeps static shapes under jit)
    ew = jnp.where(row == col, 0.0, 1.0).astype(h.dtype)
    # add_self_loops with loop weight 1 (improved=False)
    loop = jnp.arange(N, dtype=row.dtype)
    row_f = jnp.concatenate([row, loop])
    col_f = jnp.concatenate([col, loop])
    ew_f = jnp.concatenate([ew, jnp.ones((N,), dtype=h.dtype)])
    # degree over row, symmetric normalization
    deg = jax.ops.segment_sum(ew_f, row_f, num_segments=N)
    dinv = jnp.where(deg > 0, deg ** -0.5, 0.0)
    norm = dinv[row_f] * ew_f * dinv[col_f]
    # message: norm * x_j where x_j = x[source]; aggregate 'add' at target
    msg = norm[:, None] * jnp.take(h, row_f, axis=0)
    out = jax.ops.segment_sum(msg, col_f, num_segments=N)
    # update: add bias
    return out + b

if __name__ == "__main__":
    import jax
    _d = setup_inputs()
    print(jax.jit(kernel)(*tuple(_d.values())))

</pallas_src>

<mosaic_0001>
#map = affine_map<(d0, d1) -> (0)>
#map1 = affine_map<(d0, d1) -> (0, 0)>
module attributes {stable_mosaic.version = 14 : i64} {
  func.func @_deg_kernel(%arg0: i32, %arg1: i32, %arg2: memref<320000xi32, #tpu.memory_space<hbm>>, %arg3: memref<320000xi32, #tpu.memory_space<hbm>>, %arg4: memref<32x10000xf32, #tpu.memory_space<hbm>>, %arg5: memref<10000xf32, #tpu.memory_space<vmem>>, %arg6: memref<10000xi32, #tpu.memory_space<vmem>>, %arg7: memref<10000xi32, #tpu.memory_space<vmem>>) attributes {dimension_semantics = [#tpu.dimension_semantics<core_parallel>, #tpu.dimension_semantics<subcore_parallel>], iteration_bounds = array<i64: 2, 16>, scalar_prefetch = 0 : i64, scratch_operands = 3 : i64, tpu.core_type = #tpu.core_type<sc_vector_subcore>, window_params = [{transform_indices = #map}, {transform_indices = #map}, {transform_indices = #map1}]} {
    %mul3A = arith.constant 2 : i32
    %mul3A_0 = arith.muli %arg1, %mul3A : i32
    %add3A = arith.addi %mul3A_0, %arg0 : i32
    %mul3A_1 = arith.constant 10000 : i32
    %mul3A_2 = arith.muli %add3A, %mul3A_1 : i32
    "tpu.region"() ({
      %run_scoped3A = tpu.sem_alloc : memref<!tpu.dma_semaphore, #tpu.memory_space<semaphore_mem>>
      %dma_start3A = tpu.memref_slice %arg2[%mul3A_2] : memref<320000xi32, #tpu.memory_space<hbm>> -> memref<10000xi32, #tpu.memory_space<hbm>>
      %dma_start3A_19 = tpu.memref_slice %arg2[%mul3A_2] : memref<320000xi32, #tpu.memory_space<hbm>> -> memref<10000xi32, #tpu.memory_space<hbm>>
      tpu.enqueue_dma source(%dma_start3A_19 : memref<10000xi32, #tpu.memory_space<hbm>>) target(%arg6 : memref<10000xi32, #tpu.memory_space<vmem>>) target_semaphore(%run_scoped3A : memref<!tpu.dma_semaphore, #tpu.memory_space<semaphore_mem>>)
      %dma_wait3A = tpu.memref_slice %arg2[%mul3A_2] : memref<320000xi32, #tpu.memory_space<hbm>> -> memref<10000xi32, #tpu.memory_space<hbm>>
      %dma_wait3A_20 = tpu.memref_slice %arg2[%mul3A_2] : memref<320000xi32, #tpu.memory_space<hbm>> -> memref<10000xi32, #tpu.memory_space<hbm>>
      tpu.wait_dma2 semaphore(%run_scoped3A : memref<!tpu.dma_semaphore, #tpu.memory_space<semaphore_mem>>) src(%dma_wait3A_20 : memref<10000xi32, #tpu.memory_space<hbm>>) dst(%arg6 : memref<10000xi32, #tpu.memory_space<vmem>>)
      tpu.yield
    }) : () -> ()
    "tpu.region"() ({
      %run_scoped3A = tpu.sem_alloc : memref<!tpu.dma_semaphore, #tpu.memory_space<semaphore_mem>>
      %dma_start3A = tpu.memref_slice %arg3[%mul3A_2] : memref<320000xi32, #tpu.memory_space<hbm>> -> memref<10000xi32, #tpu.memory_space<hbm>>
      %dma_start3A_19 = tpu.memref_slice %arg3[%mul3A_2] : memref<320000xi32, #tpu.memory_space<hbm>> -> memref<10000xi32, #tpu.memory_space<hbm>>
      tpu.enqueue_dma source(%dma_start3A_19 : memref<10000xi32, #tpu.memory_space<hbm>>) target(%arg7 : memref<10000xi32, #tpu.memory_space<vmem>>) target_semaphore(%run_scoped3A : memref<!tpu.dma_semaphore, #tpu.memory_space<semaphore_mem>>)
      %dma_wait3A = tpu.memref_slice %arg3[%mul3A_2] : memref<320000xi32, #tpu.memory_space<hbm>> -> memref<10000xi32, #tpu.memory_space<hbm>>
      %dma_wait3A_20 = tpu.memref_slice %arg3[%mul3A_2] : memref<320000xi32, #tpu.memory_space<hbm>> -> memref<10000xi32, #tpu.memory_space<hbm>>
      tpu.wait_dma2 semaphore(%run_scoped3A : memref<!tpu.dma_semaphore, #tpu.memory_space<semaphore_mem>>) src(%dma_wait3A_20 : memref<10000xi32, #tpu.memory_space<hbm>>) dst(%arg7 : memref<10000xi32, #tpu.memory_space<vmem>>)
      tpu.yield
    }) : () -> ()
    %broadcast_in_dim3A = arith.constant 0.000000e+00 : f32
    %broadcast_in_dim3A_3 = vector.broadcast %broadcast_in_dim3A : f32 to vector<16xf32>
    %scan3A = arith.constant 0 : i32
    %scan3A_4 = arith.constant 0 : i32
    %scan3A_5 = arith.constant 625 : i32
    %scan3A_6 = arith.addi %scan3A_4, %scan3A_5 : i32
    %scan3A_7 = arith.constant 1 : i32
    scf.for %scan3A_19 = %scan3A_4 to %scan3A_6 step %scan3A_7  : i32 {
      %mul3A_20 = arith.constant 16 : i32
      %mul3A_21 = arith.muli %scan3A_19, %mul3A_20 : i32
      %swap3A = arith.index_cast %mul3A_21 : i32 to index
      %swap3A_22 = tpu.vector_load %arg5[%swap3A] {strides = array<i32>} : memref<10000xf32, #tpu.memory_space<vmem>>, vector<16xf32>,
      tpu.vector_store %arg5[%swap3A], %broadcast_in_dim3A_3 {strides = array<i32>} : memref<10000xf32, #tpu.memory_space<vmem>>, vector<16xf32>,
    }
    %scan3A_8 = arith.constant 625 : i32
    %broadcast_in_dim3A_9 = arith.constant 1.000000e+00 : f32
    %broadcast_in_dim3A_10 = vector.broadcast %broadcast_in_dim3A_9 : f32 to vector<16xf32>
    %broadcast_in_dim3A_11 = arith.constant 0.000000e+00 : f32
    %broadcast_in_dim3A_12 = vector.broadcast %broadcast_in_dim3A_11 : f32 to vector<16xf32>
    %scan3A_13 = arith.constant 0 : i32
    %scan3A_14 = arith.constant 0 : i32
    %scan3A_15 = arith.constant 625 : i32
    %scan3A_16 = arith.addi %scan3A_14, %scan3A_15 : i32
    %scan3A_17 = arith.constant 1 : i32
    scf.for %scan3A_19 = %scan3A_14 to %scan3A_16 step %scan3A_17  : i32 {
      %mul3A_20 = arith.constant 16 : i32
      %mul3A_21 = arith.muli %scan3A_19, %mul3A_20 : i32
      %get3A = arith.index_cast %mul3A_21 : i32 to index
      %get3A_22 = tpu.vector_load %arg6[%get3A] {strides = array<i32>} : memref<10000xi32, #tpu.memory_space<vmem>>, vector<16xi32>,
      %mul3A_23 = arith.constant 16 : i32
      %mul3A_24 = arith.muli %scan3A_19, %mul3A_23 : i32
      %get3A_25 = arith.index_cast %mul3A_24 : i32 to index
      %get3A_26 = tpu.vector_load %arg7[%get3A_25] {strides = array<i32>} : memref<10000xi32, #tpu.memory_space<vmem>>, vector<16xi32>,
      %eq3A = arith.cmpi eq, %get3A_22, %get3A_26 : vector<16xi32>
      %select_n3A = arith.select %eq3A, %broadcast_in_dim3A_12, %broadcast_in_dim3A_10 : vector<16xi1>, vector<16xf32>
      tpu.vector_store_idx %arg5[%get3A_22], %select_n3A {add = true} : memref<10000xf32, #tpu.memory_space<vmem>>[vector<16xi32>], vector<16xf32>,
    }
    %scan3A_18 = arith.constant 625 : i32
    "tpu.region"() ({
      %run_scoped3A = tpu.sem_alloc : memref<!tpu.dma_semaphore, #tpu.memory_space<semaphore_mem>>
      %dma_start3A = arith.constant 0 : i32
      %dma_start3A_19 = tpu.memref_slice %arg4[%add3A, %dma_start3A] : memref<32x10000xf32, #tpu.memory_space<hbm>> -> memref<1x10000xf32, #tpu.memory_space<hbm>>
      %dma_start3A_20 = tpu.memref_squeeze %dma_start3A_19 : memref<1x10000xf32, #tpu.memory_space<hbm>> -> memref<10000xf32, #tpu.memory_space<hbm>>
      %dma_start3A_21 = arith.constant 0 : i32
      %dma_start3A_22 = tpu.memref_slice %arg4[%add3A, %dma_start3A_21] : memref<32x10000xf32, #tpu.memory_space<hbm>> -> memref<1x10000xf32, #tpu.memory_space<hbm>>
      %dma_start3A_23 = tpu.memref_squeeze %dma_start3A_22 : memref<1x10000xf32, #tpu.memory_space<hbm>> -> memref<10000xf32, #tpu.memory_space<hbm>>
      tpu.enqueue_dma source(%arg5 : memref<10000xf32, #tpu.memory_space<vmem>>) target(%dma_start3A_23 : memref<10000xf32, #tpu.memory_space<hbm>>) target_semaphore(%run_scoped3A : memref<!tpu.dma_semaphore, #tpu.memory_space<semaphore_mem>>)
      %dma_wait3A = arith.constant 0 : i32
      %dma_wait3A_24 = tpu.memref_slice %arg4[%add3A, %dma_wait3A] : memref<32x10000xf32, #tpu.memory_space<hbm>> -> memref<1x10000xf32, #tpu.memory_space<hbm>>
      %dma_wait3A_25 = tpu.memref_squeeze %dma_wait3A_24 : memref<1x10000xf32, #tpu.memory_space<hbm>> -> memref<10000xf32, #tpu.memory_space<hbm>>
      %dma_wait3A_26 = arith.constant 0 : i32
      %dma_wait3A_27 = tpu.memref_slice %arg4[%add3A, %dma_wait3A_26] : memref<32x10000xf32, #tpu.memory_space<hbm>> -> memref<1x10000xf32, #tpu.memory_space<hbm>>
      %dma_wait3A_28 = tpu.memref_squeeze %dma_wait3A_27 : memref<1x10000xf32, #tpu.memory_space<hbm>> -> memref<10000xf32, #tpu.memory_space<hbm>>
      tpu.wait_dma2 semaphore(%run_scoped3A : memref<!tpu.dma_semaphore, #tpu.memory_space<semaphore_mem>>) src(%arg5 : memref<10000xf32, #tpu.memory_space<vmem>>) dst(%dma_wait3A_28 : memref<10000xf32, #tpu.memory_space<hbm>>)
      tpu.yield
    }) : () -> ()
    return
  }
}

#map = affine_map<(d0, d1) -> (0, 0)>
#map1 = affine_map<(d0, d1) -> (0, 0, 0)>
module attributes {stable_mosaic.version = 14 : i64} {
  func.func @_edge_kernel(%arg0: i32, %arg1: i32, %arg2: memref<10000x128xf32, #tpu.memory_space<hbm>>, %arg3: memref<32x10000xi32, #tpu.memory_space<hbm>>, %arg4: memref<32x10000xi32, #tpu.memory_space<hbm>>, %arg5: memref<2x10240x128xf32, #tpu.memory_space<hbm>>, %arg6: memref<10240x128xf32, #tpu.memory_space<vmem_shared>>, %arg7: memref<10000xi32, #tpu.memory_space<vmem>>, %arg8: memref<10000xi32, #tpu.memory_space<vmem>>, %arg9: memref<40x128xf32, #tpu.memory_space<vmem>>, %arg10: memref<40x128xf32, #tpu.memory_space<vmem>>, %arg11: memref<40x128xf32, #tpu.memory_space<vmem>>, %arg12: memref<40x128xf32, #tpu.memory_space<vmem>>, %arg13: memref<40x128xf32, #tpu.memory_space<vmem>>, %arg14: memref<!tpu.dma_semaphore, #tpu.memory_space<semaphore_mem>>, %arg15: memref<!tpu.dma_semaphore, #tpu.memory_space<semaphore_mem>>, %arg16: memref<!tpu.dma_semaphore, #tpu.memory_space<semaphore_mem>>, %arg17: memref<!tpu.dma_semaphore, #tpu.memory_space<semaphore_mem>>, %arg18: memref<!tpu.dma_semaphore, #tpu.memory_space<semaphore_mem>>, %arg19: memref<!tpu.dma_semaphore, #tpu.memory_space<semaphore_mem>>) attributes {dimension_semantics = [#tpu.dimension_semantics<core_parallel>, #tpu.dimension_semantics<subcore_parallel>], iteration_bounds = array<i64: 2, 16>, scalar_prefetch = 0 : i64, scratch_operands = 14 : i64, tpu.core_type = #tpu.core_type<sc_vector_subcore>, window_params = [{transform_indices = #map}, {transform_indices = #map}, {transform_indices = #map}, {transform_indices = #map1}]} {
    %mul3A = arith.constant 2 : i32
    %mul3A_0 = arith.muli %arg1, %mul3A : i32
    %add3A = arith.addi %mul3A_0, %arg0 : i32
    %dma_start3A = arith.constant 0 : i32
    %dma_start3A_1 = tpu.memref_slice %arg3[%add3A, %dma_start3A] : memref<32x10000xi32, #tpu.memory_space<hbm>> -> memref<1x10000xi32, #tpu.memory_space<hbm>>
    %dma_start3A_2 = tpu.memref_squeeze %dma_start3A_1 : memref<1x10000xi32, #tpu.memory_space<hbm>> -> memref<10000xi32, #tpu.memory_space<hbm>>
    %dma_start3A_3 = arith.constant 0 : i32
    %dma_start3A_4 = tpu.memref_slice %arg3[%add3A, %dma_start3A_3] : memref<32x10000xi32, #tpu.memory_space<hbm>> -> memref<1x10000xi32, #tpu.memory_space<hbm>>
    %dma_start3A_5 = tpu.memref_squeeze %dma_start3A_4 : memref<1x10000xi32, #tpu.memory_space<hbm>> -> memref<10000xi32, #tpu.memory_space<hbm>>
    tpu.enqueue_dma source(%dma_start3A_5 : memref<10000xi32, #tpu.memory_space<hbm>>) target(%arg7 : memref<10000xi32, #tpu.memory_space<vmem>>) target_semaphore(%arg19 : memref<!tpu.dma_semaphore, #tpu.memory_space<semaphore_mem>>)
    %dma_start3A_6 = arith.constant 0 : i32
    %dma_start3A_7 = tpu.memref_slice %arg4[%add3A, %dma_start3A_6] : memref<32x10000xi32, #tpu.memory_space<hbm>> -> memref<1x10000xi32, #tpu.memory_space<hbm>>
    %dma_start3A_8 = tpu.memref_squeeze %dma_start3A_7 : memref<1x10000xi32, #tpu.memory_space<hbm>> -> memref<10000xi32, #tpu.memory_space<hbm>>
    %dma_start3A_9 = arith.constant 0 : i32
    %dma_start3A_10 = tpu.memref_slice %arg4[%add3A, %dma_start3A_9] : memref<32x10000xi32, #tpu.memory_space<hbm>> -> memref<1x10000xi32, #tpu.memory_space<hbm>>
    %dma_start3A_11 = tpu.memref_squeeze %dma_start3A_10 : memref<1x10000xi32, #tpu.memory_space<hbm>> -> memref<10000xi32, #tpu.memory_space<hbm>>
    tpu.enqueue_dma source(%dma_start3A_11 : memref<10000xi32, #tpu.memory_space<hbm>>) target(%arg8 : memref<10000xi32, #tpu.memory_space<vmem>>) target_semaphore(%arg19 : memref<!tpu.dma_semaphore, #tpu.memory_space<semaphore_mem>>)
    %broadcast_in_dim3A = arith.constant 0.000000e+00 : f32
    %broadcast_in_dim3A_12 = vector.broadcast %broadcast_in_dim3A : f32 to vector<16xf32>
    %scan3A = arith.constant 0 : i32
    %scan3A_13 = arith.constant 0 : i32
    %scan3A_14 = arith.constant 320 : i32
    %scan3A_15 = arith.addi %scan3A_13, %scan3A_14 : i32
    %scan3A_16 = arith.constant 1 : i32
    scf.for %scan3A_346 = %scan3A_13 to %scan3A_15 step %scan3A_16  : i32 {
      %jit3A = arith.constant 8 : i32
      %div3A = arith.divsi %scan3A_346, %jit3A : i32
      %sign3A = arith.constant 0 : i32
      %sign3A_347 = arith.cmpi sgt, %scan3A_346, %sign3A : i32
      %sign3A_348 = arith.extui %sign3A_347 : i1 to i32
      %sign3A_349 = arith.constant 0 : i32
      %sign3A_350 = arith.cmpi slt, %scan3A_346, %sign3A_349 : i32
      %sign3A_351 = arith.extui %sign3A_350 : i1 to i32
      %sign3A_352 = arith.subi %sign3A_348, %sign3A_351 : i32
      %sign3A_353 = arith.constant 0 : i32
      %sign3A_354 = arith.cmpi sgt, %jit3A, %sign3A_353 : i32
      %sign3A_355 = arith.extui %sign3A_354 : i1 to i32
      %sign3A_356 = arith.constant 0 : i32
      %sign3A_357 = arith.cmpi slt, %jit3A, %sign3A_356 : i32
      %sign3A_358 = arith.extui %sign3A_357 : i1 to i32
      %sign3A_359 = arith.subi %sign3A_355, %sign3A_358 : i32
      %ne3A = arith.cmpi ne, %sign3A_352, %sign3A_359 : i32
      %rem3A = arith.remsi %scan3A_346, %jit3A : i32
      %ne3A_360 = arith.constant 0 : i32
      %ne3A_361 = arith.cmpi ne, %rem3A, %ne3A_360 : i32
      %and3A = arith.andi %ne3A, %ne3A_361 : i1
      %sub3A = arith.constant 1 : i32
      %sub3A_362 = arith.subi %div3A, %sub3A : i32
      %select_n3A = arith.select %and3A, %sub3A_362, %div3A : i32
      %jit3A_363 = arith.constant 8 : i32
      %eq3A = arith.constant 0 : i32
      %eq3A_364 = arith.cmpi eq, %jit3A_363, %eq3A : i32
      %jit3A_365 = arith.constant 1 : i32
      %select_n3A_366 = arith.select %eq3A_364, %jit3A_365, %jit3A_363 : i32
      %rem3A_367 = arith.remsi %scan3A_346, %select_n3A_366 : i32
      %ne3A_368 = arith.constant 0 : i32
      %ne3A_369 = arith.cmpi ne, %rem3A_367, %ne3A_368 : i32
      %lt3A = arith.constant 0 : i32
      %lt3A_370 = arith.cmpi slt, %rem3A_367, %lt3A : i32
      %lt3A_371 = arith.constant 0 : i32
      %lt3A_372 = arith.cmpi slt, %select_n3A_366, %lt3A_371 : i32
      %ne3A_373 = arith.xori %lt3A_370, %lt3A_372 : i1
      %and3A_374 = arith.andi %ne3A_373, %ne3A_369 : i1
      %add3A_375 = arith.addi %rem3A_367, %select_n3A_366 : i32
      %select_n3A_376 = arith.select %and3A_374, %add3A_375, %rem3A_367 : i32
      %mul3A_377 = arith.constant 16 : i32
      %mul3A_378 = arith.muli %select_n3A_376, %mul3A_377 : i32
      %swap3A = arith.index_cast %select_n3A : i32 to index
      %swap3A_379 = arith.index_cast %mul3A_378 : i32 to index
      %swap3A_380 = tpu.vector_load %arg9[%swap3A, %swap3A_379] {strides = array<i32>} : memref<40x128xf32, #tpu.memory_space<vmem>>, vector<16xf32>,
      tpu.vector_store %arg9[%swap3A, %swap3A_379], %broadcast_in_dim3A_12 {strides = array<i32>} : memref<40x128xf32, #tpu.memory_space<vmem>>, vector<16xf32>,
    }
    %scan3A_17 = arith.constant 320 : i32
    %mul3A_18 = arith.constant 640 : i32
    %mul3A_19 = arith.muli %arg1, %mul3A_18 : i32
    %add3A_20 = arith.constant 0 : i32
    %add3A_21 = arith.addi %mul3A_19, %add3A_20 : i32
    %dma_start3A_22 = arith.constant 0 : i32
    %dma_start3A_23 = tpu.memref_slice %arg6[%add3A_21, %dma_start3A_22] : memref<10240x128xf32, #tpu.memory_space<vmem_shared>> -> memref<40x128xf32, #tpu.memory_space<vmem_shared>>
    %dma_start3A_24 = arith.constant 0 : i32
    %dma_start3A_25 = tpu.memref_slice %arg6[%add3A_21, %dma_start3A_24] : memref<10240x128xf32, #tpu.memory_space<vmem_shared>> -> memref<40x128xf32, #tpu.memory_space<vmem_shared>>
    tpu.enqueue_dma source(%arg9 : memref<40x128xf32, #tpu.memory_space<vmem>>) target(%dma_start3A_25 : memref<40x128xf32, #tpu.memory_space<vmem_shared>>) target_semaphore(%arg14 : memref<!tpu.dma_semaphore, #tpu.memory_space<semaphore_mem>>)
    %mul3A_26 = arith.constant 640 : i32
    %mul3A_27 = arith.muli %arg1, %mul3A_26 : i32
    %add3A_28 = arith.constant 40 : i32
    %add3A_29 = arith.addi %mul3A_27, %add3A_28 : i32
    %dma_start3A_30 = arith.constant 0 : i32
    %dma_start3A_31 = tpu.memref_slice %arg6[%add3A_29, %dma_start3A_30] : memref<10240x128xf32, #tpu.memory_space<vmem_shared>> -> memref<40x128xf32, #tpu.memory_space<vmem_shared>>
    %dma_start3A_32 = arith.constant 0 : i32
    %dma_start3A_33 = tpu.memref_slice %arg6[%add3A_29, %dma_start3A_32] : memref<10240x128xf32, #tpu.memory_space<vmem_shared>> -> memref<40x128xf32, #tpu.memory_space<vmem_shared>>
    tpu.enqueue_dma source(%arg9 : memref<40x128xf32, #tpu.memory_space<vmem>>) target(%dma_start3A_33 : memref<40x128xf32, #tpu.memory_space<vmem_shared>>) target_semaphore(%arg15 : memref<!tpu.dma_semaphore, #tpu.memory_space<semaphore_mem>>)
    %mul3A_34 = arith.constant 640 : i32
    %mul3A_35 = arith.muli %arg1, %mul3A_34 : i32
    %add3A_36 = arith.constant 80 : i32
    %add3A_37 = arith.addi %mul3A_35, %add3A_36 : i32
    %dma_start3A_38 = arith.constant 0 : i32
    %dma_start3A_39 = tpu.memref_slice %arg6[%add3A_37, %dma_start3A_38] : memref<10240x128xf32, #tpu.memory_space<vmem_shared>> -> memref<40x128xf32, #tpu.memory_space<vmem_shared>>
    %dma_start3A_40 = arith.constant 0 : i32
    %dma_start3A_41 = tpu.memref_slice %arg6[%add3A_37, %dma_start3A_40] : memref<10240x128xf32, #tpu.memory_space<vmem_shared>> -> memref<40x128xf32, #tpu.memory_space<vmem_shared>>
    tpu.enqueue_dma source(%arg9 : memref<40x128xf32, #tpu.memory_space<vmem>>) target(%dma_start3A_41 : memref<40x128xf32, #tpu.memory_space<vmem_shared>>) target_semaphore(%arg16 : memref<!tpu.dma_semaphore, #tpu.memory_space<semaphore_mem>>)
    %mul3A_42 = arith.constant 640 : i32
    %mul3A_43 = arith.muli %arg1, %mul3A_42 : i32
    %add3A_44 = arith.constant 120 : i32
    %add3A_45 = arith.addi %mul3A_43, %add3A_44 : i32
    %dma_start3A_46 = arith.constant 0 : i32
    %dma_start3A_47 = tpu.memref_slice %arg6[%add3A_45, %dma_start3A_46] : memref<10240x128xf32, #tpu.memory_space<vmem_shared>> -> memref<40x128xf32, #tpu.memory_space<vmem_shared>>
    %dma_start3A_48 = arith.constant 0 : i32
    %dma_start3A_49 = tpu.memref_slice %arg6[%add3A_45, %dma_start3A_48] : memref<10240x128xf32, #tpu.memory_space<vmem_shared>> -> memref<40x128xf32, #tpu.memory_space<vmem_shared>>
    tpu.enqueue_dma source(%arg9 : memref<40x128xf32, #tpu.memory_space<vmem>>) target(%dma_start3A_49 : memref<40x128xf32, #tpu.memory_space<vmem_shared>>) target_semaphore(%arg17 : memref<!tpu.dma_semaphore, #tpu.memory_space<semaphore_mem>>)
    %mul3A_50 = arith.constant 640 : i32
    %mul3A_51 = arith.muli %arg1, %mul3A_50 : i32
    %add3A_52 = arith.constant 160 : i32
    %add3A_53 = arith.addi %mul3A_51, %add3A_52 : i32
    %dma_start3A_54 = arith.constant 0 : i32
    %dma_start3A_55 = tpu.memref_slice %arg6[%add3A_53, %dma_start3A_54] : memref<10240x128xf32, #tpu.memory_space<vmem_shared>> -> memref<40x128xf32, #tpu.memory_space<vmem_shared>>
    %dma_start3A_56 = arith.constant 0 : i32
    %dma_start3A_57 = tpu.memref_slice %arg6[%add3A_53, %dma_start3A_56] : memref<10240x128xf32, #tpu.memory_space<vmem_shared>> -> memref<40x128xf32, #tpu.memory_space<vmem_shared>>
    tpu.enqueue_dma source(%arg9 : memref<40x128xf32, #tpu.memory_space<vmem>>) target(%dma_start3A_57 : memref<40x128xf32, #tpu.memory_space<vmem_shared>>) target_semaphore(%arg18 : memref<!tpu.dma_semaphore, #tpu.memory_space<semaphore_mem>>)
    %mul3A_58 = arith.constant 640 : i32
    %mul3A_59 = arith.muli %arg1, %mul3A_58 : i32
    %add3A_60 = arith.constant 200 : i32
    %add3A_61 = arith.addi %mul3A_59, %add3A_60 : i32
    %dma_start3A_62 = arith.constant 0 : i32
    %dma_start3A_63 = tpu.memref_slice %arg6[%add3A_61, %dma_start3A_62] : memref<10240x128xf32, #tpu.memory_space<vmem_shared>> -> memref<40x128xf32, #tpu.memory_space<vmem_shared>>
    %dma_start3A_64 = arith.constant 0 : i32
    %dma_start3A_65 = tpu.memref_slice %arg6[%add3A_61, %dma_start3A_64] : memref<10240x128xf32, #tpu.memory_space<vmem_shared>> -> memref<40x128xf32, #tpu.memory_space<vmem_shared>>
    tpu.enqueue_dma source(%arg9 : memref<40x128xf32, #tpu.memory_space<vmem>>) target(%dma_start3A_65 : memref<40x128xf32, #tpu.memory_space<vmem_shared>>) target_semaphore(%arg14 : memref<!tpu.dma_semaphore, #tpu.memory_space<semaphore_mem>>)
    %mul3A_66 = arith.constant 640 : i32
    %mul3A_67 = arith.muli %arg1, %mul3A_66 : i32
    %add3A_68 = arith.constant 240 : i32
    %add3A_69 = arith.addi %mul3A_67, %add3A_68 : i32
    %dma_start3A_70 = arith.constant 0 : i32
    %dma_start3A_71 = tpu.memref_slice %arg6[%add3A_69, %dma_start3A_70] : memref<10240x128xf32, #tpu.memory_space<vmem_shared>> -> memref<40x128xf32, #tpu.memory_space<vmem_shared>>
    %dma_start3A_72 = arith.constant 0 : i32
    %dma_start3A_73 = tpu.memref_slice %arg6[%add3A_69, %dma_start3A_72] : memref<10240x128xf32, #tpu.memory_space<vmem_shared>> -> memref<40x128xf32, #tpu.memory_space<vmem_shared>>
    tpu.enqueue_dma source(%arg9 : memref<40x128xf32, #tpu.memory_space<vmem>>) target(%dma_start3A_73 : memref<40x128xf32, #tpu.memory_space<vmem_shared>>) target_semaphore(%arg15 : memref<!tpu.dma_semaphore, #tpu.memory_space<semaphore_mem>>)
    %mul3A_74 = arith.constant 640 : i32
    %mul3A_75 = arith.muli %arg1, %mul3A_74 : i32
    %add3A_76 = arith.constant 280 : i32
    %add3A_77 = arith.addi %mul3A_75, %add3A_76 : i32
    %dma_start3A_78 = arith.constant 0 : i32
    %dma_start3A_79 = tpu.memref_slice %arg6[%add3A_77, %dma_start3A_78] : memref<10240x128xf32, #tpu.memory_space<vmem_shared>> -> memref<40x128xf32, #tpu.memory_space<vmem_shared>>
    %dma_start3A_80 = arith.constant 0 : i32
    %dma_start3A_81 = tpu.memref_slice %arg6[%add3A_77, %dma_start3A_80] : memref<10240x128xf32, #tpu.memory_space<vmem_shared>> -> memref<40x128xf32, #tpu.memory_space<vmem_shared>>
    tpu.enqueue_dma source(%arg9 : memref<40x128xf32, #tpu.memory_space<vmem>>) target(%dma_start3A_81 : memref<40x128xf32, #tpu.memory_space<vmem_shared>>) target_semaphore(%arg16 : memref<!tpu.dma_semaphore, #tpu.memory_space<semaphore_mem>>)
    %mul3A_82 = arith.constant 640 : i32
    %mul3A_83 = arith.muli %arg1, %mul3A_82 : i32
    %add3A_84 = arith.constant 320 : i32
    %add3A_85 = arith.addi %mul3A_83, %add3A_84 : i32
    %dma_start3A_86 = arith.constant 0 : i32
    %dma_start3A_87 = tpu.memref_slice %arg6[%add3A_85, %dma_start3A_86] : memref<10240x128xf32, #tpu.memory_space<vmem_shared>> -> memref<40x128xf32, #tpu.memory_space<vmem_shared>>
    %dma_start3A_88 = arith.constant 0 : i32
    %dma_start3A_89 = tpu.memref_slice %arg6[%add3A_85, %dma_start3A_88] : memref<10240x128xf32, #tpu.memory_space<vmem_shared>> -> memref<40x128xf32, #tpu.memory_space<vmem_shared>>
    tpu.enqueue_dma source(%arg9 : memref<40x128xf32, #tpu.memory_space<vmem>>) target(%dma_start3A_89 : memref<40x128xf32, #tpu.memory_space<vmem_shared>>) target_semaphore(%arg17 : memref<!tpu.dma_semaphore, #tpu.memory_space<semaphore_mem>>)
    %mul3A_90 = arith.constant 640 : i32
    %mul3A_91 = arith.muli %arg1, %mul3A_90 : i32
    %add3A_92 = arith.constant 360 : i32
    %add3A_93 = arith.addi %mul3A_91, %add3A_92 : i32
    %dma_start3A_94 = arith.constant 0 : i32
    %dma_start3A_95 = tpu.memref_slice %arg6[%add3A_93, %dma_start3A_94] : memref<10240x128xf32, #tpu.memory_space<vmem_shared>> -> memref<40x128xf32, #tpu.memory_space<vmem_shared>>
    %dma_start3A_96 = arith.constant 0 : i32
    %dma_start3A_97 = tpu.memref_slice %arg6[%add3A_93, %dma_start3A_96] : memref<10240x128xf32, #tpu.memory_space<vmem_shared>> -> memref<40x128xf32, #tpu.memory_space<vmem_shared>>
    tpu.enqueue_dma source(%arg9 : memref<40x128xf32, #tpu.memory_space<vmem>>) target(%dma_start3A_97 : memref<40x128xf32, #tpu.memory_space<vmem_shared>>) target_semaphore(%arg18 : memref<!tpu.dma_semaphore, #tpu.memory_space<semaphore_mem>>)
    %mul3A_98 = arith.constant 640 : i32
    %mul3A_99 = arith.muli %arg1, %mul3A_98 : i32
    %add3A_100 = arith.constant 400 : i32
    %add3A_101 = arith.addi %mul3A_99, %add3A_100 : i32
    %dma_start3A_102 = arith.constant 0 : i32
    %dma_start3A_103 = tpu.memref_slice %arg6[%add3A_101, %dma_start3A_102] : memref<10240x128xf32, #tpu.memory_space<vmem_shared>> -> memref<40x128xf32, #tpu.memory_space<vmem_shared>>
    %dma_start3A_104 = arith.constant 0 : i32
    %dma_start3A_105 = tpu.memref_slice %arg6[%add3A_101, %dma_start3A_104] : memref<10240x128xf32, #tpu.memory_space<vmem_shared>> -> memref<40x128xf32, #tpu.memory_space<vmem_shared>>
    tpu.enqueue_dma source(%arg9 : memref<40x128xf32, #tpu.memory_space<vmem>>) target(%dma_start3A_105 : memref<40x128xf32, #tpu.memory_space<vmem_shared>>) target_semaphore(%arg14 : memref<!tpu.dma_semaphore, #tpu.memory_space<semaphore_mem>>)
    %mul3A_106 = arith.constant 640 : i32
    %mul3A_107 = arith.muli %arg1, %mul3A_106 : i32
    %add3A_108 = arith.constant 440 : i32
    %add3A_109 = arith.addi %mul3A_107, %add3A_108 : i32
    %dma_start3A_110 = arith.constant 0 : i32
    %dma_start3A_111 = tpu.memref_slice %arg6[%add3A_109, %dma_start3A_110] : memref<10240x128xf32, #tpu.memory_space<vmem_shared>> -> memref<40x128xf32, #tpu.memory_space<vmem_shared>>
    %dma_start3A_112 = arith.constant 0 : i32
    %dma_start3A_113 = tpu.memref_slice %arg6[%add3A_109, %dma_start3A_112] : memref<10240x128xf32, #tpu.memory_space<vmem_shared>> -> memref<40x128xf32, #tpu.memory_space<vmem_shared>>
    tpu.enqueue_dma source(%arg9 : memref<40x128xf32, #tpu.memory_space<vmem>>) target(%dma_start3A_113 : memref<40x128xf32, #tpu.memory_space<vmem_shared>>) target_semaphore(%arg15 : memref<!tpu.dma_semaphore, #tpu.memory_space<semaphore_mem>>)
    %mul3A_114 = arith.constant 640 : i32
    %mul3A_115 = arith.muli %arg1, %mul3A_114 : i32
    %add3A_116 = arith.constant 480 : i32
    %add3A_117 = arith.addi %mul3A_115, %add3A_116 : i32
    %dma_start3A_118 = arith.constant 0 : i32
    %dma_start3A_119 = tpu.memref_slice %arg6[%add3A_117, %dma_start3A_118] : memref<10240x128xf32, #tpu.memory_space<vmem_shared>> -> memref<40x128xf32, #tpu.memory_space<vmem_shared>>
    %dma_start3A_120 = arith.constant 0 : i32
    %dma_start3A_121 = tpu.memref_slice %arg6[%add3A_117, %dma_start3A_120] : memref<10240x128xf32, #tpu.memory_space<vmem_shared>> -> memref<40x128xf32, #tpu.memory_space<vmem_shared>>
    tpu.enqueue_dma source(%arg9 : memref<40x128xf32, #tpu.memory_space<vmem>>) target(%dma_start3A_121 : memref<40x128xf32, #tpu.memory_space<vmem_shared>>) target_semaphore(%arg16 : memref<!tpu.dma_semaphore, #tpu.memory_space<semaphore_mem>>)
    %mul3A_122 = arith.constant 640 : i32
    %mul3A_123 = arith.muli %arg1, %mul3A_122 : i32
    %add3A_124 = arith.constant 520 : i32
    %add3A_125 = arith.addi %mul3A_123, %add3A_124 : i32
    %dma_start3A_126 = arith.constant 0 : i32
    %dma_start3A_127 = tpu.memref_slice %arg6[%add3A_125, %dma_start3A_126] : memref<10240x128xf32, #tpu.memory_space<vmem_shared>> -> memref<40x128xf32, #tpu.memory_space<vmem_shared>>
    %dma_start3A_128 = arith.constant 0 : i32
    %dma_start3A_129 = tpu.memref_slice %arg6[%add3A_125, %dma_start3A_128] : memref<10240x128xf32, #tpu.memory_space<vmem_shared>> -> memref<40x128xf32, #tpu.memory_space<vmem_shared>>
    tpu.enqueue_dma source(%arg9 : memref<40x128xf32, #tpu.memory_space<vmem>>) target(%dma_start3A_129 : memref<40x128xf32, #tpu.memory_space<vmem_shared>>) target_semaphore(%arg17 : memref<!tpu.dma_semaphore, #tpu.memory_space<semaphore_mem>>)
    %mul3A_130 = arith.constant 640 : i32
    %mul3A_131 = arith.muli %arg1, %mul3A_130 : i32
    %add3A_132 = arith.constant 560 : i32
    %add3A_133 = arith.addi %mul3A_131, %add3A_132 : i32
    %dma_start3A_134 = arith.constant 0 : i32
    %dma_start3A_135 = tpu.memref_slice %arg6[%add3A_133, %dma_start3A_134] : memref<10240x128xf32, #tpu.memory_space<vmem_shared>> -> memref<40x128xf32, #tpu.memory_space<vmem_shared>>
    %dma_start3A_136 = arith.constant 0 : i32
    %dma_start3A_137 = tpu.memref_slice %arg6[%add3A_133, %dma_start3A_136] : memref<10240x128xf32, #tpu.memory_space<vmem_shared>> -> memref<40x128xf32, #tpu.memory_space<vmem_shared>>
    tpu.enqueue_dma source(%arg9 : memref<40x128xf32, #tpu.memory_space<vmem>>) target(%dma_start3A_137 : memref<40x128xf32, #tpu.memory_space<vmem_shared>>) target_semaphore(%arg18 : memref<!tpu.dma_semaphore, #tpu.memory_space<semaphore_mem>>)
    %mul3A_138 = arith.constant 640 : i32
    %mul3A_139 = arith.muli %arg1, %mul3A_138 : i32
    %add3A_140 = arith.constant 600 : i32
    %add3A_141 = arith.addi %mul3A_139, %add3A_140 : i32
    %dma_start3A_142 = arith.constant 0 : i32
    %dma_start3A_143 = tpu.memref_slice %arg6[%add3A_141, %dma_start3A_142] : memref<10240x128xf32, #tpu.memory_space<vmem_shared>> -> memref<40x128xf32, #tpu.memory_space<vmem_shared>>
    %dma_start3A_144 = arith.constant 0 : i32
    %dma_start3A_145 = tpu.memref_slice %arg6[%add3A_141, %dma_start3A_144] : memref<10240x128xf32, #tpu.memory_space<vmem_shared>> -> memref<40x128xf32, #tpu.memory_space<vmem_shared>>
    tpu.enqueue_dma source(%arg9 : memref<40x128xf32, #tpu.memory_space<vmem>>) target(%dma_start3A_145 : memref<40x128xf32, #tpu.memory_space<vmem_shared>>) target_semaphore(%arg14 : memref<!tpu.dma_semaphore, #tpu.memory_space<semaphore_mem>>)
    %mul3A_146 = arith.constant 640 : i32
    %mul3A_147 = arith.muli %arg1, %mul3A_146 : i32
    %add3A_148 = arith.constant 0 : i32
    %add3A_149 = arith.addi %mul3A_147, %add3A_148 : i32
    %dma_wait3A = arith.constant 0 : i32
    %dma_wait3A_150 = tpu.memref_slice %arg6[%add3A_149, %dma_wait3A] : memref<10240x128xf32, #tpu.memory_space<vmem_shared>> -> memref<40x128xf32, #tpu.memory_space<vmem_shared>>
    %dma_wait3A_151 = arith.constant 0 : i32
    %dma_wait3A_152 = tpu.memref_slice %arg6[%add3A_149, %dma_wait3A_151] : memref<10240x128xf32, #tpu.memory_space<vmem_shared>> -> memref<40x128xf32, #tpu.memory_space<vmem_shared>>
    tpu.wait_dma2 semaphore(%arg14 : memref<!tpu.dma_semaphore, #tpu.memory_space<semaphore_mem>>) src(%arg9 : memref<40x128xf32, #tpu.memory_space<vmem>>) dst(%dma_wait3A_152 : memref<40x128xf32, #tpu.memory_space<vmem_shared>>)
    %mul3A_153 = arith.constant 640 : i32
    %mul3A_154 = arith.muli %arg1, %mul3A_153 : i32
    %add3A_155 = arith.constant 40 : i32
    %add3A_156 = arith.addi %mul3A_154, %add3A_155 : i32
    %dma_wait3A_157 = arith.constant 0 : i32
    %dma_wait3A_158 = tpu.memref_slice %arg6[%add3A_156, %dma_wait3A_157] : memref<10240x128xf32, #tpu.memory_space<vmem_shared>> -> memref<40x128xf32, #tpu.memory_space<vmem_shared>>
    %dma_wait3A_159 = arith.constant 0 : i32
    %dma_wait3A_160 = tpu.memref_slice %arg6[%add3A_156, %dma_wait3A_159] : memref<10240x128xf32, #tpu.memory_space<vmem_shared>> -> memref<40x128xf32, #tpu.memory_space<vmem_shared>>
    tpu.wait_dma2 semaphore(%arg15 : memref<!tpu.dma_semaphore, #tpu.memory_space<semaphore_mem>>) src(%arg9 : memref<40x128xf32, #tpu.memory_space<vmem>>) dst(%dma_wait3A_160 : memref<40x128xf32, #tpu.memory_space<vmem_shared>>)
    %mul3A_161 = arith.constant 640 : i32
    %mul3A_162 = arith.muli %arg1, %mul3A_161 : i32
    %add3A_163 = arith.constant 80 : i32
    %add3A_164 = arith.addi %mul3A_162, %add3A_163 : i32
    %dma_wait3A_165 = arith.constant 0 : i32
    %dma_wait3A_166 = tpu.memref_slice %arg6[%add3A_164, %dma_wait3A_165] : memref<10240x128xf32, #tpu.memory_space<vmem_shared>> -> memref<40x128xf32, #tpu.memory_space<vmem_shared>>
    %dma_wait3A_167 = arith.constant 0 : i32
    %dma_wait3A_168 = tpu.memref_slice %arg6[%add3A_164, %dma_wait3A_167] : memref<10240x128xf32, #tpu.memory_space<vmem_shared>> -> memref<40x128xf32, #tpu.memory_space<vmem_shared>>
    tpu.wait_dma2 semaphore(%arg16 : memref<!tpu.dma_semaphore, #tpu.memory_space<semaphore_mem>>) src(%arg9 : memref<40x128xf32, #tpu.memory_space<vmem>>) dst(%dma_wait3A_168 : memref<40x128xf32, #tpu.memory_space<vmem_shared>>)
    %mul3A_169 = arith.constant 640 : i32
    %mul3A_170 = arith.muli %arg1, %mul3A_169 : i32
    %add3A_171 = arith.constant 120 : i32
    %add3A_172 = arith.addi %mul3A_170, %add3A_171 : i32
    %dma_wait3A_173 = arith.constant 0 : i32
    %dma_wait3A_174 = tpu.memref_slice %arg6[%add3A_172, %dma_wait3A_173] : memref<10240x128xf32, #tpu.memory_space<vmem_shared>> -> memref<40x128xf32, #tpu.memory_space<vmem_shared>>
    %dma_wait3A_175 = arith.constant 0 : i32
    %dma_wait3A_176 = tpu.memref_slice %arg6[%add3A_172, %dma_wait3A_175] : memref<10240x128xf32, #tpu.memory_space<vmem_shared>> -> memref<40x128xf32, #tpu.memory_space<vmem_shared>>
    tpu.wait_dma2 semaphore(%arg17 : memref<!tpu.dma_semaphore, #tpu.memory_space<semaphore_mem>>) src(%arg9 : memref<40x128xf32, #tpu.memory_space<vmem>>) dst(%dma_wait3A_176 : memref<40x128xf32, #tpu.memory_space<vmem_shared>>)
    %mul3A_177 = arith.constant 640 : i32
    %mul3A_178 = arith.muli %arg1, %mul3A_177 : i32
    %add3A_179 = arith.constant 160 : i32
    %add3A_180 = arith.addi %mul3A_178, %add3A_179 : i32
    %dma_wait3A_181 = arith.constant 0 : i32
    %dma_wait3A_182 = tpu.memref_slice %arg6[%add3A_180, %dma_wait3A_181] : memref<10240x128xf32, #tpu.memory_space<vmem_shared>> -> memref<40x128xf32, #tpu.memory_space<vmem_shared>>
    %dma_wait3A_183 = arith.constant 0 : i32
    %dma_wait3A_184 = tpu.memref_slice %arg6[%add3A_180, %dma_wait3A_183] : memref<10240x128xf32, #tpu.memory_space<vmem_shared>> -> memref<40x128xf32, #tpu.memory_space<vmem_shared>>
    tpu.wait_dma2 semaphore(%arg18 : memref<!tpu.dma_semaphore, #tpu.memory_space<semaphore_mem>>) src(%arg9 : memref<40x128xf32, #tpu.memory_space<vmem>>) dst(%dma_wait3A_184 : memref<40x128xf32, #tpu.memory_space<vmem_shared>>)
    %mul3A_185 = arith.constant 640 : i32
    %mul3A_186 = arith.muli %arg1, %mul3A_185 : i32
    %add3A_187 = arith.constant 200 : i32
    %add3A_188 = arith.addi %mul3A_186, %add3A_187 : i32
    %dma_wait3A_189 = arith.constant 0 : i32
    %dma_wait3A_190 = tpu.memref_slice %arg6[%add3A_188, %dma_wait3A_189] : memref<10240x128xf32, #tpu.memory_space<vmem_shared>> -> memref<40x128xf32, #tpu.memory_space<vmem_shared>>
    %dma_wait3A_191 = arith.constant 0 : i32
    %dma_wait3A_192 = tpu.memref_slice %arg6[%add3A_188, %dma_wait3A_191] : memref<10240x128xf32, #tpu.memory_space<vmem_shared>> -> memref<40x128xf32, #tpu.memory_space<vmem_shared>>
    tpu.wait_dma2 semaphore(%arg14 : memref<!tpu.dma_semaphore, #tpu.memory_space<semaphore_mem>>) src(%arg9 : memref<40x128xf32, #tpu.memory_space<vmem>>) dst(%dma_wait3A_192 : memref<40x128xf32, #tpu.memory_space<vmem_shared>>)
    %mul3A_193 = arith.constant 640 : i32
    %mul3A_194 = arith.muli %arg1, %mul3A_193 : i32
    %add3A_195 = arith.constant 240 : i32
    %add3A_196 = arith.addi %mul3A_194, %add3A_195 : i32
    %dma_wait3A_197 = arith.constant 0 : i32
    %dma_wait3A_198 = tpu.memref_slice %arg6[%add3A_196, %dma_wait3A_197] : memref<10240x128xf32, #tpu.memory_space<vmem_shared>> -> memref<40x128xf32, #tpu.memory_space<vmem_shared>>
    %dma_wait3A_199 = arith.constant 0 : i32
    %dma_wait3A_200 = tpu.memref_slice %arg6[%add3A_196, %dma_wait3A_199] : memref<10240x128xf32, #tpu.memory_space<vmem_shared>> -> memref<40x128xf32, #tpu.memory_space<vmem_shared>>
    tpu.wait_dma2 semaphore(%arg15 : memref<!tpu.dma_semaphore, #tpu.memory_space<semaphore_mem>>) src(%arg9 : memref<40x128xf32, #tpu.memory_space<vmem>>) dst(%dma_wait3A_200 : memref<40x128xf32, #tpu.memory_space<vmem_shared>>)
    %mul3A_201 = arith.constant 640 : i32
    %mul3A_202 = arith.muli %arg1, %mul3A_201 : i32
    %add3A_203 = arith.constant 280 : i32
    %add3A_204 = arith.addi %mul3A_202, %add3A_203 : i32
    %dma_wait3A_205 = arith.constant 0 : i32
    %dma_wait3A_206 = tpu.memref_slice %arg6[%add3A_204, %dma_wait3A_205] : memref<10240x128xf32, #tpu.memory_space<vmem_shared>> -> memref<40x128xf32, #tpu.memory_space<vmem_shared>>
    %dma_wait3A_207 = arith.constant 0 : i32
    %dma_wait3A_208 = tpu.memref_slice %arg6[%add3A_204, %dma_wait3A_207] : memref<10240x128xf32, #tpu.memory_space<vmem_shared>> -> memref<40x128xf32, #tpu.memory_space<vmem_shared>>
    tpu.wait_dma2 semaphore(%arg16 : memref<!tpu.dma_semaphore, #tpu.memory_space<semaphore_mem>>) src(%arg9 : memref<40x128xf32, #tpu.memory_space<vmem>>) dst(%dma_wait3A_208 : memref<40x128xf32, #tpu.memory_space<vmem_shared>>)
    %mul3A_209 = arith.constant 640 : i32
    %mul3A_210 = arith.muli %arg1, %mul3A_209 : i32
    %add3A_211 = arith.constant 320 : i32
    %add3A_212 = arith.addi %mul3A_210, %add3A_211 : i32
    %dma_wait3A_213 = arith.constant 0 : i32
    %dma_wait3A_214 = tpu.memref_slice %arg6[%add3A_212, %dma_wait3A_213] : memref<10240x128xf32, #tpu.memory_space<vmem_shared>> -> memref<40x128xf32, #tpu.memory_space<vmem_shared>>
    %dma_wait3A_215 = arith.constant 0 : i32
    %dma_wait3A_216 = tpu.memref_slice %arg6[%add3A_212, %dma_wait3A_215] : memref<10240x128xf32, #tpu.memory_space<vmem_shared>> -> memref<40x128xf32, #tpu.memory_space<vmem_shared>>
    tpu.wait_dma2 semaphore(%arg17 : memref<!tpu.dma_semaphore, #tpu.memory_space<semaphore_mem>>) src(%arg9 : memref<40x128xf32, #tpu.memory_space<vmem>>) dst(%dma_wait3A_216 : memref<40x128xf32, #tpu.memory_space<vmem_shared>>)
    %mul3A_217 = arith.constant 640 : i32
    %mul3A_218 = arith.muli %arg1, %mul3A_217 : i32
    %add3A_219 = arith.constant 360 : i32
    %add3A_220 = arith.addi %mul3A_218, %add3A_219 : i32
    %dma_wait3A_221 = arith.constant 0 : i32
    %dma_wait3A_222 = tpu.memref_slice %arg6[%add3A_220, %dma_wait3A_221] : memref<10240x128xf32, #tpu.memory_space<vmem_shared>> -> memref<40x128xf32, #tpu.memory_space<vmem_shared>>
    %dma_wait3A_223 = arith.constant 0 : i32
    %dma_wait3A_224 = tpu.memref_slice %arg6[%add3A_220, %dma_wait3A_223] : memref<10240x128xf32, #tpu.memory_space<vmem_shared>> -> memref<40x128xf32, #tpu.memory_space<vmem_shared>>
    tpu.wait_dma2 semaphore(%arg18 : memref<!tpu.dma_semaphore, #tpu.memory_space<semaphore_mem>>) src(%arg9 : memref<40x128xf32, #tpu.memory_space<vmem>>) dst(%dma_wait3A_224 : memref<40x128xf32, #tpu.memory_space<vmem_shared>>)
    %mul3A_225 = arith.constant 640 : i32
    %mul3A_226 = arith.muli %arg1, %mul3A_225 : i32
    %add3A_227 = arith.constant 400 : i32
    %add3A_228 = arith.addi %mul3A_226, %add3A_227 : i32
    %dma_wait3A_229 = arith.constant 0 : i32
    %dma_wait3A_230 = tpu.memref_slice %arg6[%add3A_228, %dma_wait3A_229] : memref<10240x128xf32, #tpu.memory_space<vmem_shared>> -> memref<40x128xf32, #tpu.memory_space<vmem_shared>>
    %dma_wait3A_231 = arith.constant 0 : i32
    %dma_wait3A_232 = tpu.memref_slice %arg6[%add3A_228, %dma_wait3A_231] : memref<10240x128xf32, #tpu.memory_space<vmem_shared>> -> memref<40x128xf32, #tpu.memory_space<vmem_shared>>
    tpu.wait_dma2 semaphore(%arg14 : memref<!tpu.dma_semaphore, #tpu.memory_space<semaphore_mem>>) src(%arg9 : memref<40x128xf32, #tpu.memory_space<vmem>>) dst(%dma_wait3A_232 : memref<40x128xf32, #tpu.memory_space<vmem_shared>>)
    %mul3A_233 = arith.constant 640 : i32
    %mul3A_234 = arith.muli %arg1, %mul3A_233 : i32
    %add3A_235 = arith.constant 440 : i32
    %add3A_236 = arith.addi %mul3A_234, %add3A_235 : i32
    %dma_wait3A_237 = arith.constant 0 : i32
    %dma_wait3A_238 = tpu.memref_slice %arg6[%add3A_236, %dma_wait3A_237] : memref<10240x128xf32, #tpu.memory_space<vmem_shared>> -> memref<40x128xf32, #tpu.memory_space<vmem_shared>>
    %dma_wait3A_239 = arith.constant 0 : i32
    %dma_wait3A_240 = tpu.memref_slice %arg6[%add3A_236, %dma_wait3A_239] : memref<10240x128xf32, #tpu.memory_space<vmem_shared>> -> memref<40x128xf32, #tpu.memory_space<vmem_shared>>
    tpu.wait_dma2 semaphore(%arg15 : memref<!tpu.dma_semaphore, #tpu.memory_space<semaphore_mem>>) src(%arg9 : memref<40x128xf32, #tpu.memory_space<vmem>>) dst(%dma_wait3A_240 : memref<40x128xf32, #tpu.memory_space<vmem_shared>>)
    %mul3A_241 = arith.constant 640 : i32
    %mul3A_242 = arith.muli %arg1, %mul3A_241 : i32
    %add3A_243 = arith.constant 480 : i32
    %add3A_244 = arith.addi %mul3A_242, %add3A_243 : i32
    %dma_wait3A_245 = arith.constant 0 : i32
    %dma_wait3A_246 = tpu.memref_slice %arg6[%add3A_244, %dma_wait3A_245] : memref<10240x128xf32, #tpu.memory_space<vmem_shared>> -> memref<40x128xf32, #tpu.memory_space<vmem_shared>>
    %dma_wait3A_247 = arith.constant 0 : i32
    %dma_wait3A_248 = tpu.memref_slice %arg6[%add3A_244, %dma_wait3A_247] : memref<10240x128xf32, #tpu.memory_space<vmem_shared>> -> memref<40x128xf32, #tpu.memory_space<vmem_shared>>
    tpu.wait_dma2 semaphore(%arg16 : memref<!tpu.dma_semaphore, #tpu.memory_space<semaphore_mem>>) src(%arg9 : memref<40x128xf32, #tpu.memory_space<vmem>>) dst(%dma_wait3A_248 : memref<40x128xf32, #tpu.memory_space<vmem_shared>>)
    %mul3A_249 = arith.constant 640 : i32
    %mul3A_250 = arith.muli %arg1, %mul3A_249 : i32
    %add3A_251 = arith.constant 520 : i32
    %add3A_252 = arith.addi %mul3A_250, %add3A_251 : i32
    %dma_wait3A_253 = arith.constant 0 : i32
    %dma_wait3A_254 = tpu.memref_slice %arg6[%add3A_252, %dma_wait3A_253] : memref<10240x128xf32, #tpu.memory_space<vmem_shared>> -> memref<40x128xf32, #tpu.memory_space<vmem_shared>>
    %dma_wait3A_255 = arith.constant 0 : i32
    %dma_wait3A_256 = tpu.memref_slice %arg6[%add3A_252, %dma_wait3A_255] : memref<10240x128xf32, #tpu.memory_space<vmem_shared>> -> memref<40x128xf32, #tpu.memory_space<vmem_shared>>
    tpu.wait_dma2 semaphore(%arg17 : memref<!tpu.dma_semaphore, #tpu.memory_space<semaphore_mem>>) src(%arg9 : memref<40x128xf32, #tpu.memory_space<vmem>>) dst(%dma_wait3A_256 : memref<40x128xf32, #tpu.memory_space<vmem_shared>>)
    %mul3A_257 = arith.constant 640 : i32
    %mul3A_258 = arith.muli %arg1, %mul3A_257 : i32
    %add3A_259 = arith.constant 560 : i32
    %add3A_260 = arith.addi %mul3A_258, %add3A_259 : i32
    %dma_wait3A_261 = arith.constant 0 : i32
    %dma_wait3A_262 = tpu.memref_slice %arg6[%add3A_260, %dma_wait3A_261] : memref<10240x128xf32, #tpu.memory_space<vmem_shared>> -> memref<40x128xf32, #tpu.memory_space<vmem_shared>>
    %dma_wait3A_263 = arith.constant 0 : i32
    %dma_wait3A_264 = tpu.memref_slice %arg6[%add3A_260, %dma_wait3A_263] : memref<10240x128xf32, #tpu.memory_space<vmem_shared>> -> memref<40x128xf32, #tpu.memory_space<vmem_shared>>
    tpu.wait_dma2 semaphore(%arg18 : memref<!tpu.dma_semaphore, #tpu.memory_space<semaphore_mem>>) src(%arg9 : memref<40x128xf32, #tpu.memory_space<vmem>>) dst(%dma_wait3A_264 : memref<40x128xf32, #tpu.memory_space<vmem_shared>>)
    %mul3A_265 = arith.constant 640 : i32
    %mul3A_266 = arith.muli %arg1, %mul3A_265 : i32
    %add3A_267 = arith.constant 600 : i32
    %add3A_268 = arith.addi %mul3A_266, %add3A_267 : i32
    %dma_wait3A_269 = arith.constant 0 : i32
    %dma_wait3A_270 = tpu.memref_slice %arg6[%add3A_268, %dma_wait3A_269] : memref<10240x128xf32, #tpu.memory_space<vmem_shared>> -> memref<40x128xf32, #tpu.memory_space<vmem_shared>>
    %dma_wait3A_271 = arith.constant 0 : i32
    %dma_wait3A_272 = tpu.memref_slice %arg6[%add3A_268, %dma_wait3A_271] : memref<10240x128xf32, #tpu.memory_space<vmem_shared>> -> memref<40x128xf32, #tpu.memory_space<vmem_shared>>
    tpu.wait_dma2 semaphore(%arg14 : memref<!tpu.dma_semaphore, #tpu.memory_space<semaphore_mem>>) src(%arg9 : memref<40x128xf32, #tpu.memory_space<vmem>>) dst(%dma_wait3A_272 : memref<40x128xf32, #tpu.memory_space<vmem_shared>>)
    %dma_wait3A_273 = arith.constant 0 : i32
    %dma_wait3A_274 = tpu.memref_slice %arg3[%add3A, %dma_wait3A_273] : memref<32x10000xi32, #tpu.memory_space<hbm>> -> memref<1x10000xi32, #tpu.memory_space<hbm>>
    %dma_wait3A_275 = tpu.memref_squeeze %dma_wait3A_274 : memref<1x10000xi32, #tpu.memory_space<hbm>> -> memref<10000xi32, #tpu.memory_space<hbm>>
    %dma_wait3A_276 = arith.constant 0 : i32
    %dma_wait3A_277 = tpu.memref_slice %arg3[%add3A, %dma_wait3A_276] : memref<32x10000xi32, #tpu.memory_space<hbm>> -> memref<1x10000xi32, #tpu.memory_space<hbm>>
    %dma_wait3A_278 = tpu.memref_squeeze %dma_wait3A_277 : memref<1x10000xi32, #tpu.memory_space<hbm>> -> memref<10000xi32, #tpu.memory_space<hbm>>
    tpu.wait_dma2 semaphore(%arg19 : memref<!tpu.dma_semaphore, #tpu.memory_space<semaphore_mem>>) src(%dma_wait3A_278 : memref<10000xi32, #tpu.memory_space<hbm>>) dst(%arg7 : memref<10000xi32, #tpu.memory_space<vmem>>)
    %dma_wait3A_279 = arith.constant 0 : i32
    %dma_wait3A_280 = tpu.memref_slice %arg4[%add3A, %dma_wait3A_279] : memref<32x10000xi32, #tpu.memory_space<hbm>> -> memref<1x10000xi32, #tpu.memory_space<hbm>>
    %dma_wait3A_281 = tpu.memref_squeeze %dma_wait3A_280 : memref<1x10000xi32, #tpu.memory_space<hbm>> -> memref<10000xi32, #tpu.memory_space<hbm>>
    %dma_wait3A_282 = arith.constant 0 : i32
    %dma_wait3A_283 = tpu.memref_slice %arg4[%add3A, %dma_wait3A_282] : memref<32x10000xi32, #tpu.memory_space<hbm>> -> memref<1x10000xi32, #tpu.memory_space<hbm>>
    %dma_wait3A_284 = tpu.memref_squeeze %dma_wait3A_283 : memref<1x10000xi32, #tpu.memory_space<hbm>> -> memref<10000xi32, #tpu.memory_space<hbm>>
    tpu.wait_dma2 semaphore(%arg19 : memref<!tpu.dma_semaphore, #tpu.memory_space<semaphore_mem>>) src(%dma_wait3A_284 : memref<10000xi32, #tpu.memory_space<hbm>>) dst(%arg8 : memref<10000xi32, #tpu.memory_space<vmem>>)
    %barrier3A = arith.constant 0 : index
    tpu.barrier barrier_id(%barrier3A)
    %dma_start3A_285 = arith.constant 0 : i32
    %dma_start3A_286 = tpu.memref_slice %arg7[%dma_start3A_285] : memref<10000xi32, #tpu.memory_space<vmem>> -> memref<40xi32, #tpu.memory_space<vmem>>
    %dma_start3A_287 = arith.constant 0 : i32
    %dma_start3A_288 = arith.constant 0 : i32
    %dma_start3A_289 = tpu.memref_slice %arg2[%dma_start3A_287, %dma_start3A_288] : memref<10000x128xf32, #tpu.memory_space<hbm>> -> memref<10000x128xf32, #tpu.memory_space<hbm>>
    tpu.enqueue_indirect_dma source(%dma_start3A_289 : memref<10000x128xf32, #tpu.memory_space<hbm>>) target(%arg9 : memref<40x128xf32, #tpu.memory_space<vmem>>) offsets(%dma_start3A_286 : memref<40xi32, #tpu.memory_space<vmem>>) semaphore(%arg14 : memref<!tpu.dma_semaphore, #tpu.memory_space<semaphore_mem>>)
    %dma_start3A_290 = arith.constant 40 : i32
    %dma_start3A_291 = tpu.memref_slice %arg7[%dma_start3A_290] : memref<10000xi32, #tpu.memory_space<vmem>> -> memref<40xi32, #tpu.memory_space<vmem>>
    %dma_start3A_292 = arith.constant 0 : i32
    %dma_start3A_293 = arith.constant 0 : i32
    %dma_start3A_294 = tpu.memref_slice %arg2[%dma_start3A_292, %dma_start3A_293] : memref<10000x128xf32, #tpu.memory_space<hbm>> -> memref<10000x128xf32, #tpu.memory_space<hbm>>
    tpu.enqueue_indirect_dma source(%dma_start3A_294 : memref<10000x128xf32, #tpu.memory_space<hbm>>) target(%arg10 : memref<40x128xf32, #tpu.memory_space<vmem>>) offsets(%dma_start3A_291 : memref<40xi32, #tpu.memory_space<vmem>>) semaphore(%arg15 : memref<!tpu.dma_semaphore, #tpu.memory_space<semaphore_mem>>)
    %dma_start3A_295 = arith.constant 80 : i32
    %dma_start3A_296 = tpu.memref_slice %arg7[%dma_start3A_295] : memref<10000xi32, #tpu.memory_space<vmem>> -> memref<40xi32, #tpu.memory_space<vmem>>
    %dma_start3A_297 = arith.constant 0 : i32
    %dma_start3A_298 = arith.constant 0 : i32
    %dma_start3A_299 = tpu.memref_slice %arg2[%dma_start3A_297, %dma_start3A_298] : memref<10000x128xf32, #tpu.memory_space<hbm>> -> memref<10000x128xf32, #tpu.memory_space<hbm>>
    tpu.enqueue_indirect_dma source(%dma_start3A_299 : memref<10000x128xf32, #tpu.memory_space<hbm>>) target(%arg11 : memref<40x128xf32, #tpu.memory_space<vmem>>) offsets(%dma_start3A_296 : memref<40xi32, #tpu.memory_space<vmem>>) semaphore(%arg16 : memref<!tpu.dma_semaphore, #tpu.memory_space<semaphore_mem>>)
    %dma_start3A_300 = arith.constant 120 : i32
    %dma_start3A_301 = tpu.memref_slice %arg7[%dma_start3A_300] : memref<10000xi32, #tpu.memory_space<vmem>> -> memref<40xi32, #tpu.memory_space<vmem>>
    %dma_start3A_302 = arith.constant 0 : i32
    %dma_start3A_303 = arith.constant 0 : i32
    %dma_start3A_304 = tpu.memref_slice %arg2[%dma_start3A_302, %dma_start3A_303] : memref<10000x128xf32, #tpu.memory_space<hbm>> -> memref<10000x128xf32, #tpu.memory_space<hbm>>
    tpu.enqueue_indirect_dma source(%dma_start3A_304 : memref<10000x128xf32, #tpu.memory_space<hbm>>) target(%arg12 : memref<40x128xf32, #tpu.memory_space<vmem>>) offsets(%dma_start3A_301 : memref<40xi32, #tpu.memory_space<vmem>>) semaphore(%arg17 : memref<!tpu.dma_semaphore, #tpu.memory_space<semaphore_mem>>)
    %dma_start3A_305 = arith.constant 160 : i32
    %dma_start3A_306 = tpu.memref_slice %arg7[%dma_start3A_305] : memref<10000xi32, #tpu.memory_space<vmem>> -> memref<40xi32, #tpu.memory_space<vmem>>
    %dma_start3A_307 = arith.constant 0 : i32
    %dma_start3A_308 = arith.constant 0 : i32
    %dma_start3A_309 = tpu.memref_slice %arg2[%dma_start3A_307, %dma_start3A_308] : memref<10000x128xf32, #tpu.memory_space<hbm>> -> memref<10000x128xf32, #tpu.memory_space<hbm>>
    tpu.enqueue_indirect_dma source(%dma_start3A_309 : memref<10000x128xf32, #tpu.memory_space<hbm>>) target(%arg13 : memref<40x128xf32, #tpu.memory_space<vmem>>) offsets(%dma_start3A_306 : memref<40xi32, #tpu.memory_space<vmem>>) semaphore(%arg18 : memref<!tpu.dma_semaphore, #tpu.memory_space<semaphore_mem>>)
    %scan3A_310 = arith.constant 0 : i32
    %scan3A_311 = arith.constant 0 : i32
    %scan3A_312 = arith.constant 49 : i32
    %scan3A_313 = arith.addi %scan3A_311, %scan3A_312 : i32
    %scan3A_314 = arith.constant 1 : i32
    scf.for %scan3A_346 = %scan3A_311 to %scan3A_313 step %scan3A_314  : i32 {
      %mul3A_347 = arith.constant 5 : i32
      %mul3A_348 = arith.muli %scan3A_346, %mul3A_347 : i32
      %add3A_349 = arith.constant 0 : i32
      %add3A_350 = arith.addi %mul3A_348, %add3A_349 : i32
      %dma_wait3A_351 = arith.constant 0 : i32
      %dma_wait3A_352 = tpu.memref_slice %arg7[%dma_wait3A_351] : memref<10000xi32, #tpu.memory_space<vmem>> -> memref<40xi32, #tpu.memory_space<vmem>>
      %dma_wait3A_353 = arith.constant 0 : i32
      %dma_wait3A_354 = arith.constant 0 : i32
      %dma_wait3A_355 = tpu.memref_slice %arg2[%dma_wait3A_353, %dma_wait3A_354] : memref<10000x128xf32, #tpu.memory_space<hbm>> -> memref<10000x128xf32, #tpu.memory_space<hbm>>
      tpu.wait_indirect_dma semaphore(%arg14 : memref<!tpu.dma_semaphore, #tpu.memory_space<semaphore_mem>>) src(%dma_wait3A_355 : memref<10000x128xf32, #tpu.memory_space<hbm>>) dst(%arg9 : memref<40x128xf32, #tpu.memory_space<vmem>>)
      %mul3A_356 = arith.constant 40 : i32
      %mul3A_357 = arith.muli %add3A_350, %mul3A_356 : i32
      "tpu.region"() ({
        %run_scoped3A = tpu.sem_alloc : memref<!tpu.dma_semaphore, #tpu.memory_space<semaphore_mem>>
        %dma_start3A_442 = tpu.memref_slice %arg8[%mul3A_357] : memref<10000xi32, #tpu.memory_space<vmem>> -> memref<40xi32, #tpu.memory_space<vmem>>
        %dma_start3A_443 = arith.constant 0 : i32
        %dma_start3A_444 = arith.constant 0 : i32
        %dma_start3A_445 = tpu.memref_slice %arg6[%dma_start3A_443, %dma_start3A_444] : memref<10240x128xf32, #tpu.memory_space<vmem_shared>> -> memref<10240x128xf32, #tpu.memory_space<vmem_shared>>
        tpu.enqueue_indirect_dma source(%arg9 : memref<40x128xf32, #tpu.memory_space<vmem>>) target(%dma_start3A_445 : memref<10240x128xf32, #tpu.memory_space<vmem_shared>>) offsets(%dma_start3A_442 : memref<40xi32, #tpu.memory_space<vmem>>) semaphore(%run_scoped3A : memref<!tpu.dma_semaphore, #tpu.memory_space<semaphore_mem>>) {add = true}
        %dma_wait3A_446 = tpu.memref_slice %arg8[%mul3A_357] : memref<10000xi32, #tpu.memory_space<vmem>> -> memref<40xi32, #tpu.memory_space<vmem>>
        %dma_wait3A_447 = arith.constant 0 : i32
        %dma_wait3A_448 = arith.constant 0 : i32
        %dma_wait3A_449 = tpu.memref_slice %arg6[%dma_wait3A_447, %dma_wait3A_448] : memref<10240x128xf32, #tpu.memory_space<vmem_shared>> -> memref<10240x128xf32, #tpu.memory_space<vmem_shared>>
        tpu.wait_indirect_dma semaphore(%run_scoped3A : memref<!tpu.dma_semaphore, #tpu.memory_space<semaphore_mem>>) src(%arg9 : memref<40x128xf32, #tpu.memory_space<vmem>>) dst(%dma_wait3A_449 : memref<10240x128xf32, #tpu.memory_space<vmem_shared>>)
        tpu.yield
      }) : () -> ()
      %add3A_358 = arith.constant 5 : i32
      %add3A_359 = arith.addi %add3A_350, %add3A_358 : i32
      %mul3A_360 = arith.constant 40 : i32
      %mul3A_361 = arith.muli %add3A_359, %mul3A_360 : i32
      %dma_start3A_362 = tpu.memref_slice %arg7[%mul3A_361] : memref<10000xi32, #tpu.memory_space<vmem>> -> memref<40xi32, #tpu.memory_space<vmem>>
      %dma_start3A_363 = arith.constant 0 : i32
      %dma_start3A_364 = arith.constant 0 : i32
      %dma_start3A_365 = tpu.memref_slice %arg2[%dma_start3A_363, %dma_start3A_364] : memref<10000x128xf32, #tpu.memory_space<hbm>> -> memref<10000x128xf32, #tpu.memory_space<hbm>>
      tpu.enqueue_indirect_dma source(%dma_start3A_365 : memref<10000x128xf32, #tpu.memory_space<hbm>>) target(%arg9 : memref<40x128xf32, #tpu.memory_space<vmem>>) offsets(%dma_start3A_362 : memref<40xi32, #tpu.memory_space<vmem>>) semaphore(%arg14 : memref<!tpu.dma_semaphore, #tpu.memory_space<semaphore_mem>>)
      %mul3A_366 = arith.constant 5 : i32
      %mul3A_367 = arith.muli %scan3A_346, %mul3A_366 : i32
      %add3A_368 = arith.constant 1 : i32
      %add3A_369 = arith.addi %mul3A_367, %add3A_368 : i32
      %dma_wait3A_370 = arith.constant 0 : i32
      %dma_wait3A_371 = tpu.memref_slice %arg7[%dma_wait3A_370] : memref<10000xi32, #tpu.memory_space<vmem>> -> memref<40xi32, #tpu.memory_space<vmem>>
      %dma_wait3A_372 = arith.constant 0 : i32
      %dma_wait3A_373 = arith.constant 0 : i32
      %dma_wait3A_374 = tpu.memref_slice %arg2[%dma_wait3A_372, %dma_wait3A_373] : memref<10000x128xf32, #tpu.memory_space<hbm>> -> memref<10000x128xf32, #tpu.memory_space<hbm>>
      tpu.wait_indirect_dma semaphore(%arg15 : memref<!tpu.dma_semaphore, #tpu.memory_space<semaphore_mem>>) src(%dma_wait3A_374 : memref<10000x128xf32, #tpu.memory_space<hbm>>) dst(%arg10 : memref<40x128xf32, #tpu.memory_space<vmem>>)
      %mul3A_375 = arith.constant 40 : i32
      %mul3A_376 = arith.muli %add3A_369, %mul3A_375 : i32
      "tpu.region"() ({
        %run_scoped3A = tpu.sem_alloc : memref<!tpu.dma_semaphore, #tpu.memory_space<semaphore_mem>>
        %dma_start3A_442 = tpu.memref_slice %arg8[%mul3A_376] : memref<10000xi32, #tpu.memory_space<vmem>> -> memref<40xi32, #tpu.memory_space<vmem>>
        %dma_start3A_443 = arith.constant 0 : i32
        %dma_start3A_444 = arith.constant 0 : i32
        %dma_start3A_445 = tpu.memref_slice %arg6[%dma_start3A_443, %dma_start3A_444] : memref<10240x128xf32, #tpu.memory_space<vmem_shared>> -> memref<10240x128xf32, #tpu.memory_space<vmem_shared>>
        tpu.enqueue_indirect_dma source(%arg10 : memref<40x128xf32, #tpu.memory_space<vmem>>) target(%dma_start3A_445 : memref<10240x128xf32, #tpu.memory_space<vmem_shared>>) offsets(%dma_start3A_442 : memref<40xi32, #tpu.memory_space<vmem>>) semaphore(%run_scoped3A : memref<!tpu.dma_semaphore, #tpu.memory_space<semaphore_mem>>) {add = true}
        %dma_wait3A_446 = tpu.memref_slice %arg8[%mul3A_376] : memref<10000xi32, #tpu.memory_space<vmem>> -> memref<40xi32, #tpu.memory_space<vmem>>
        %dma_wait3A_447 = arith.constant 0 : i32
        %dma_wait3A_448 = arith.constant 0 : i32
        %dma_wait3A_449 = tpu.memref_slice %arg6[%dma_wait3A_447, %dma_wait3A_448] : memref<10240x128xf32, #tpu.memory_space<vmem_shared>> -> memref<10240x128xf32, #tpu.memory_space<vmem_shared>>
        tpu.wait_indirect_dma semaphore(%run_scoped3A : memref<!tpu.dma_semaphore, #tpu.memory_space<semaphore_mem>>) src(%arg10 : memref<40x128xf32, #tpu.memory_space<vmem>>) dst(%dma_wait3A_449 : memref<10240x128xf32, #tpu.memory_space<vmem_shared>>)
        tpu.yield
      }) : () -> ()
      %add3A_377 = arith.constant 5 : i32
      %add3A_378 = arith.addi %add3A_369, %add3A_377 : i32
      %mul3A_379 = arith.constant 40 : i32
      %mul3A_380 = arith.muli %add3A_378, %mul3A_379 : i32
      %dma_start3A_381 = tpu.memref_slice %arg7[%mul3A_380] : memref<10000xi32, #tpu.memory_space<vmem>> -> memref<40xi32, #tpu.memory_space<vmem>>
      %dma_start3A_382 = arith.constant 0 : i32
      %dma_start3A_383 = arith.constant 0 : i32
      %dma_start3A_384 = tpu.memref_slice %arg2[%dma_start3A_382, %dma_start3A_383] : memref<10000x128xf32, #tpu.memory_space<hbm>> -> memref<10000x128xf32, #tpu.memory_space<hbm>>
      tpu.enqueue_indirect_dma source(%dma_start3A_384 : memref<10000x128xf32, #tpu.memory_space<hbm>>) target(%arg10 : memref<40x128xf32, #tpu.memory_space<vmem>>) offsets(%dma_start3A_381 : memref<40xi32, #tpu.memory_space<vmem>>) semaphore(%arg15 : memref<!tpu.dma_semaphore, #tpu.memory_space<semaphore_mem>>)
      %mul3A_385 = arith.constant 5 : i32
      %mul3A_386 = arith.muli %scan3A_346, %mul3A_385 : i32
      %add3A_387 = arith.constant 2 : i32
      %add3A_388 = arith.addi %mul3A_386, %add3A_387 : i32
      %dma_wait3A_389 = arith.constant 0 : i32
      %dma_wait3A_390 = tpu.memref_slice %arg7[%dma_wait3A_389] : memref<10000xi32, #tpu.memory_space<vmem>> -> memref<40xi32, #tpu.memory_space<vmem>>
      %dma_wait3A_391 = arith.constant 0 : i32
      %dma_wait3A_392 = arith.constant 0 : i32
      %dma_wait3A_393 = tpu.memref_slice %arg2[%dma_wait3A_391, %dma_wait3A_392] : memref<10000x128xf32, #tpu.memory_space<hbm>> -> memref<10000x128xf32, #tpu.memory_space<hbm>>
      tpu.wait_indirect_dma semaphore(%arg16 : memref<!tpu.dma_semaphore, #tpu.memory_space<semaphore_mem>>) src(%dma_wait3A_393 : memref<10000x128xf32, #tpu.memory_space<hbm>>) dst(%arg11 : memref<40x128xf32, #tpu.memory_space<vmem>>)
      %mul3A_394 = arith.constant 40 : i32
      %mul3A_395 = arith.muli %add3A_388, %mul3A_394 : i32
      "tpu.region"() ({
        %run_scoped3A = tpu.sem_alloc : memref<!tpu.dma_semaphore, #tpu.memory_space<semaphore_mem>>
        %dma_start3A_442 = tpu.memref_slice %arg8[%mul3A_395] : memref<10000xi32, #tpu.memory_space<vmem>> -> memref<40xi32, #tpu.memory_space<vmem>>
        %dma_start3A_443 = arith.constant 0 : i32
        %dma_start3A_444 = arith.constant 0 : i32
        %dma_start3A_445 = tpu.memref_slice %arg6[%dma_start3A_443, %dma_start3A_444] : memref<10240x128xf32, #tpu.memory_space<vmem_shared>> -> memref<10240x128xf32, #tpu.memory_space<vmem_shared>>
        tpu.enqueue_indirect_dma source(%arg11 : memref<40x128xf32, #tpu.memory_space<vmem>>) target(%dma_start3A_445 : memref<10240x128xf32, #tpu.memory_space<vmem_shared>>) offsets(%dma_start3A_442 : memref<40xi32, #tpu.memory_space<vmem>>) semaphore(%run_scoped3A : memref<!tpu.dma_semaphore, #tpu.memory_space<semaphore_mem>>) {add = true}
        %dma_wait3A_446 = tpu.memref_slice %arg8[%mul3A_395] : memref<10000xi32, #tpu.memory_space<vmem>> -> memref<40xi32, #tpu.memory_space<vmem>>
        %dma_wait3A_447 = arith.constant 0 : i32
        %dma_wait3A_448 = arith.constant 0 : i32
        %dma_wait3A_449 = tpu.memref_slice %arg6[%dma_wait3A_447, %dma_wait3A_448] : memref<10240x128xf32, #tpu.memory_space<vmem_shared>> -> memref<10240x128xf32, #tpu.memory_space<vmem_shared>>
        tpu.wait_indirect_dma semaphore(%run_scoped3A : memref<!tpu.dma_semaphore, #tpu.memory_space<semaphore_mem>>) src(%arg11 : memref<40x128xf32, #tpu.memory_space<vmem>>) dst(%dma_wait3A_449 : memref<10240x128xf32, #tpu.memory_space<vmem_shared>>)
        tpu.yield
      }) : () -> ()
      %add3A_396 = arith.constant 5 : i32
      %add3A_397 = arith.addi %add3A_388, %add3A_396 : i32
      %mul3A_398 = arith.constant 40 : i32
      %mul3A_399 = arith.muli %add3A_397, %mul3A_398 : i32
      %dma_start3A_400 = tpu.memref_slice %arg7[%mul3A_399] : memref<10000xi32, #tpu.memory_space<vmem>> -> memref<40xi32, #tpu.memory_space<vmem>>
      %dma_start3A_401 = arith.constant 0 : i32
      %dma_start3A_402 = arith.constant 0 : i32
      %dma_start3A_403 = tpu.memref_slice %arg2[%dma_start3A_401, %dma_start3A_402] : memref<10000x128xf32, #tpu.memory_space<hbm>> -> memref<10000x128xf32, #tpu.memory_space<hbm>>
      tpu.enqueue_indirect_dma source(%dma_start3A_403 : memref<10000x128xf32, #tpu.memory_space<hbm>>) target(%arg11 : memref<40x128xf32, #tpu.memory_space<vmem>>) offsets(%dma_start3A_400 : memref<40xi32, #tpu.memory_space<vmem>>) semaphore(%arg16 : memref<!tpu.dma_semaphore, #tpu.memory_space<semaphore_mem>>)
      %mul3A_404 = arith.constant 5 : i32
      %mul3A_405 = arith.muli %scan3A_346, %mul3A_404 : i32
      %add3A_406 = arith.constant 3 : i32
      %add3A_407 = arith.addi %mul3A_405, %add3A_406 : i32
      %dma_wait3A_408 = arith.constant 0 : i32
      %dma_wait3A_409 = tpu.memref_slice %arg7[%dma_wait3A_408] : memref<10000xi32, #tpu.memory_space<vmem>> -> memref<40xi32, #tpu.memory_space<vmem>>
      %dma_wait3A_410 = arith.constant 0 : i32
      %dma_wait3A_411 = arith.constant 0 : i32
      %dma_wait3A_412 = tpu.memref_slice %arg2[%dma_wait3A_410, %dma_wait3A_411] : memref<10000x128xf32, #tpu.memory_space<hbm>> -> memref<10000x128xf32, #tpu.memory_space<hbm>>
      tpu.wait_indirect_dma semaphore(%arg17 : memref<!tpu.dma_semaphore, #tpu.memory_space<semaphore_mem>>) src(%dma_wait3A_412 : memref<10000x128xf32, #tpu.memory_space<hbm>>) dst(%arg12 : memref<40x128xf32, #tpu.memory_space<vmem>>)
      %mul3A_413 = arith.constant 40 : i32
      %mul3A_414 = arith.muli %add3A_407, %mul3A_413 : i32
      "tpu.region"() ({
        %run_scoped3A = tpu.sem_alloc : memref<!tpu.dma_semaphore, #tpu.memory_space<semaphore_mem>>
        %dma_start3A_442 = tpu.memref_slice %arg8[%mul3A_414] : memref<10000xi32, #tpu.memory_space<vmem>> -> memref<40xi32, #tpu.memory_space<vmem>>
        %dma_start3A_443 = arith.constant 0 : i32
        %dma_start3A_444 = arith.constant 0 : i32
        %dma_start3A_445 = tpu.memref_slice %arg6[%dma_start3A_443, %dma_start3A_444] : memref<10240x128xf32, #tpu.memory_space<vmem_shared>> -> memref<10240x128xf32, #tpu.memory_space<vmem_shared>>
        tpu.enqueue_indirect_dma source(%arg12 : memref<40x128xf32, #tpu.memory_space<vmem>>) target(%dma_start3A_445 : memref<10240x128xf32, #tpu.memory_space<vmem_shared>>) offsets(%dma_start3A_442 : memref<40xi32, #tpu.memory_space<vmem>>) semaphore(%run_scoped3A : memref<!tpu.dma_semaphore, #tpu.memory_space<semaphore_mem>>) {add = true}
        %dma_wait3A_446 = tpu.memref_slice %arg8[%mul3A_414] : memref<10000xi32, #tpu.memory_space<vmem>> -> memref<40xi32, #tpu.memory_space<vmem>>
        %dma_wait3A_447 = arith.constant 0 : i32
        %dma_wait3A_448 = arith.constant 0 : i32
        %dma_wait3A_449 = tpu.memref_slice %arg6[%dma_wait3A_447, %dma_wait3A_448] : memref<10240x128xf32, #tpu.memory_space<vmem_shared>> -> memref<10240x128xf32, #tpu.memory_space<vmem_shared>>
        tpu.wait_indirect_dma semaphore(%run_scoped3A : memref<!tpu.dma_semaphore, #tpu.memory_space<semaphore_mem>>) src(%arg12 : memref<40x128xf32, #tpu.memory_space<vmem>>) dst(%dma_wait3A_449 : memref<10240x128xf32, #tpu.memory_space<vmem_shared>>)
        tpu.yield
      }) : () -> ()
      %add3A_415 = arith.constant 5 : i32
      %add3A_416 = arith.addi %add3A_407, %add3A_415 : i32
      %mul3A_417 = arith.constant 40 : i32
      %mul3A_418 = arith.muli %add3A_416, %mul3A_417 : i32
      %dma_start3A_419 = tpu.memref_slice %arg7[%mul3A_418] : memref<10000xi32, #tpu.memory_space<vmem>> -> memref<40xi32, #tpu.memory_space<vmem>>
      %dma_start3A_420 = arith.constant 0 : i32
      %dma_start3A_421 = arith.constant 0 : i32
      %dma_start3A_422 = tpu.memref_slice %arg2[%dma_start3A_420, %dma_start3A_421] : memref<10000x128xf32, #tpu.memory_space<hbm>> -> memref<10000x128xf32, #tpu.memory_space<hbm>>
      tpu.enqueue_indirect_dma source(%dma_start3A_422 : memref<10000x128xf32, #tpu.memory_space<hbm>>) target(%arg12 : memref<40x128xf32, #tpu.memory_space<vmem>>) offsets(%dma_start3A_419 : memref<40xi32, #tpu.memory_space<vmem>>) semaphore(%arg17 : memref<!tpu.dma_semaphore, #tpu.memory_space<semaphore_mem>>)
      %mul3A_423 = arith.constant 5 : i32
      %mul3A_424 = arith.muli %scan3A_346, %mul3A_423 : i32
      %add3A_425 = arith.constant 4 : i32
      %add3A_426 = arith.addi %mul3A_424, %add3A_425 : i32
      %dma_wait3A_427 = arith.constant 0 : i32
      %dma_wait3A_428 = tpu.memref_slice %arg7[%dma_wait3A_427] : memref<10000xi32, #tpu.memory_space<vmem>> -> memref<40xi32, #tpu.memory_space<vmem>>
      %dma_wait3A_429 = arith.constant 0 : i32
      %dma_wait3A_430 = arith.constant 0 : i32
      %dma_wait3A_431 = tpu.memref_slice %arg2[%dma_wait3A_429, %dma_wait3A_430] : memref<10000x128xf32, #tpu.memory_space<hbm>> -> memref<10000x128xf32, #tpu.memory_space<hbm>>
      tpu.wait_indirect_dma semaphore(%arg18 : memref<!tpu.dma_semaphore, #tpu.memory_space<semaphore_mem>>) src(%dma_wait3A_431 : memref<10000x128xf32, #tpu.memory_space<hbm>>) dst(%arg13 : memref<40x128xf32, #tpu.memory_space<vmem>>)
      %mul3A_432 = arith.constant 40 : i32
      %mul3A_433 = arith.muli %add3A_426, %mul3A_432 : i32
      "tpu.region"() ({
        %run_scoped3A = tpu.sem_alloc : memref<!tpu.dma_semaphore, #tpu.memory_space<semaphore_mem>>
        %dma_start3A_442 = tpu.memref_slice %arg8[%mul3A_433] : memref<10000xi32, #tpu.memory_space<vmem>> -> memref<40xi32, #tpu.memory_space<vmem>>
        %dma_start3A_443 = arith.constant 0 : i32
        %dma_start3A_444 = arith.constant 0 : i32
        %dma_start3A_445 = tpu.memref_slice %arg6[%dma_start3A_443, %dma_start3A_444] : memref<10240x128xf32, #tpu.memory_space<vmem_shared>> -> memref<10240x128xf32, #tpu.memory_space<vmem_shared>>
        tpu.enqueue_indirect_dma source(%arg13 : memref<40x128xf32, #tpu.memory_space<vmem>>) target(%dma_start3A_445 : memref<10240x128xf32, #tpu.memory_space<vmem_shared>>) offsets(%dma_start3A_442 : memref<40xi32, #tpu.memory_space<vmem>>) semaphore(%run_scoped3A : memref<!tpu.dma_semaphore, #tpu.memory_space<semaphore_mem>>) {add = true}
        %dma_wait3A_446 = tpu.memref_slice %arg8[%mul3A_433] : memref<10000xi32, #tpu.memory_space<vmem>> -> memref<40xi32, #tpu.memory_space<vmem>>
        %dma_wait3A_447 = arith.constant 0 : i32
        %dma_wait3A_448 = arith.constant 0 : i32
        %dma_wait3A_449 = tpu.memref_slice %arg6[%dma_wait3A_447, %dma_wait3A_448] : memref<10240x128xf32, #tpu.memory_space<vmem_shared>> -> memref<10240x128xf32, #tpu.memory_space<vmem_shared>>
        tpu.wait_indirect_dma semaphore(%run_scoped3A : memref<!tpu.dma_semaphore, #tpu.memory_space<semaphore_mem>>) src(%arg13 : memref<40x128xf32, #tpu.memory_space<vmem>>) dst(%dma_wait3A_449 : memref<10240x128xf32, #tpu.memory_space<vmem_shared>>)
        tpu.yield
      }) : () -> ()
      %add3A_434 = arith.constant 5 : i32
      %add3A_435 = arith.addi %add3A_426, %add3A_434 : i32
      %mul3A_436 = arith.constant 40 : i32
      %mul3A_437 = arith.muli %add3A_435, %mul3A_436 : i32
      %dma_start3A_438 = tpu.memref_slice %arg7[%mul3A_437] : memref<10000xi32, #tpu.memory_space<vmem>> -> memref<40xi32, #tpu.memory_space<vmem>>
      %dma_start3A_439 = arith.constant 0 : i32
      %dma_start3A_440 = arith.constant 0 : i32
      %dma_start3A_441 = tpu.memref_slice %arg2[%dma_start3A_439, %dma_start3A_440] : memref<10000x128xf32, #tpu.memory_space<hbm>> -> memref<10000x128xf32, #tpu.memory_space<hbm>>
      tpu.enqueue_indirect_dma source(%dma_start3A_441 : memref<10000x128xf32, #tpu.memory_space<hbm>>) target(%arg13 : memref<40x128xf32, #tpu.memory_space<vmem>>) offsets(%dma_start3A_438 : memref<40xi32, #tpu.memory_space<vmem>>) semaphore(%arg18 : memref<!tpu.dma_semaphore, #tpu.memory_space<semaphore_mem>>)
    }
    %scan3A_315 = arith.constant 49 : i32
    %dma_wait3A_316 = arith.constant 0 : i32
    %dma_wait3A_317 = tpu.memref_slice %arg7[%dma_wait3A_316] : memref<10000xi32, #tpu.memory_space<vmem>> -> memref<40xi32, #tpu.memory_space<vmem>>
    %dma_wait3A_318 = arith.constant 0 : i32
    %dma_wait3A_319 = arith.constant 0 : i32
    %dma_wait3A_320 = tpu.memref_slice %arg2[%dma_wait3A_318, %dma_wait3A_319] : memref<10000x128xf32, #tpu.memory_space<hbm>> -> memref<10000x128xf32, #tpu.memory_space<hbm>>
    tpu.wait_indirect_dma semaphore(%arg14 : memref<!tpu.dma_semaphore, #tpu.memory_space<semaphore_mem>>) src(%dma_wait3A_320 : memref<10000x128xf32, #tpu.memory_space<hbm>>) dst(%arg9 : memref<40x128xf32, #tpu.memory_space<vmem>>)
    "tpu.region"() ({
      %run_scoped3A = tpu.sem_alloc : memref<!tpu.dma_semaphore, #tpu.memory_space<semaphore_mem>>
      %dma_start3A_346 = arith.constant 9800 : i32
      %dma_start3A_347 = tpu.memref_slice %arg8[%dma_start3A_346] : memref<10000xi32, #tpu.memory_space<vmem>> -> memref<40xi32, #tpu.memory_space<vmem>>
      %dma_start3A_348 = arith.constant 0 : i32
      %dma_start3A_349 = arith.constant 0 : i32
      %dma_start3A_350 = tpu.memref_slice %arg6[%dma_start3A_348, %dma_start3A_349] : memref<10240x128xf32, #tpu.memory_space<vmem_shared>> -> memref<10240x128xf32, #tpu.memory_space<vmem_shared>>
      tpu.enqueue_indirect_dma source(%arg9 : memref<40x128xf32, #tpu.memory_space<vmem>>) target(%dma_start3A_350 : memref<10240x128xf32, #tpu.memory_space<vmem_shared>>) offsets(%dma_start3A_347 : memref<40xi32, #tpu.memory_space<vmem>>) semaphore(%run_scoped3A : memref<!tpu.dma_semaphore, #tpu.memory_space<semaphore_mem>>) {add = true}
      %dma_wait3A_351 = arith.constant 9800 : i32
      %dma_wait3A_352 = tpu.memref_slice %arg8[%dma_wait3A_351] : memref<10000xi32, #tpu.memory_space<vmem>> -> memref<40xi32, #tpu.memory_space<vmem>>
      %dma_wait3A_353 = arith.constant 0 : i32
      %dma_wait3A_354 = arith.constant 0 : i32
      %dma_wait3A_355 = tpu.memref_slice %arg6[%dma_wait3A_353, %dma_wait3A_354] : memref<10240x128xf32, #tpu.memory_space<vmem_shared>> -> memref<10240x128xf32, #tpu.memory_space<vmem_shared>>
      tpu.wait_indirect_dma semaphore(%run_scoped3A : memref<!tpu.dma_semaphore, #tpu.memory_space<semaphore_mem>>) src(%arg9 : memref<40x128xf32, #tpu.memory_space<vmem>>) dst(%dma_wait3A_355 : memref<10240x128xf32, #tpu.memory_space<vmem_shared>>)
      tpu.yield
    }) : () -> ()
    %dma_wait3A_321 = arith.constant 0 : i32
    %dma_wait3A_322 = tpu.memref_slice %arg7[%dma_wait3A_321] : memref<10000xi32, #tpu.memory_space<vmem>> -> memref<40xi32, #tpu.memory_space<vmem>>
    %dma_wait3A_323 = arith.constant 0 : i32
    %dma_wait3A_324 = arith.constant 0 : i32
    %dma_wait3A_325 = tpu.memref_slice %arg2[%dma_wait3A_323, %dma_wait3A_324] : memref<10000x128xf32, #tpu.memory_space<hbm>> -> memref<10000x128xf32, #tpu.memory_space<hbm>>
    tpu.wait_indirect_dma semaphore(%arg15 : memref<!tpu.dma_semaphore, #tpu.memory_space<semaphore_mem>>) src(%dma_wait3A_325 : memref<10000x128xf32, #tpu.memory_space<hbm>>) dst(%arg10 : memref<40x128xf32, #tpu.memory_space<vmem>>)
    "tpu.region"() ({
      %run_scoped3A = tpu.sem_alloc : memref<!tpu.dma_semaphore, #tpu.memory_space<semaphore_mem>>
      %dma_start3A_346 = arith.constant 9840 : i32
      %dma_start3A_347 = tpu.memref_slice %arg8[%dma_start3A_346] : memref<10000xi32, #tpu.memory_space<vmem>> -> memref<40xi32, #tpu.memory_space<vmem>>
      %dma_start3A_348 = arith.constant 0 : i32
      %dma_start3A_349 = arith.constant 0 : i32
      %dma_start3A_350 = tpu.memref_slice %arg6[%dma_start3A_348, %dma_start3A_349] : memref<10240x128xf32, #tpu.memory_space<vmem_shared>> -> memref<10240x128xf32, #tpu.memory_space<vmem_shared>>
      tpu.enqueue_indirect_dma source(%arg10 : memref<40x128xf32, #tpu.memory_space<vmem>>) target(%dma_start3A_350 : memref<10240x128xf32, #tpu.memory_space<vmem_shared>>) offsets(%dma_start3A_347 : memref<40xi32, #tpu.memory_space<vmem>>) semaphore(%run_scoped3A : memref<!tpu.dma_semaphore, #tpu.memory_space<semaphore_mem>>) {add = true}
      %dma_wait3A_351 = arith.constant 9840 : i32
      %dma_wait3A_352 = tpu.memref_slice %arg8[%dma_wait3A_351] : memref<10000xi32, #tpu.memory_space<vmem>> -> memref<40xi32, #tpu.memory_space<vmem>>
      %dma_wait3A_353 = arith.constant 0 : i32
      %dma_wait3A_354 = arith.constant 0 : i32
      %dma_wait3A_355 = tpu.memref_slice %arg6[%dma_wait3A_353, %dma_wait3A_354] : memref<10240x128xf32, #tpu.memory_space<vmem_shared>> -> memref<10240x128xf32, #tpu.memory_space<vmem_shared>>
      tpu.wait_indirect_dma semaphore(%run_scoped3A : memref<!tpu.dma_semaphore, #tpu.memory_space<semaphore_mem>>) src(%arg10 : memref<40x128xf32, #tpu.memory_space<vmem>>) dst(%dma_wait3A_355 : memref<10240x128xf32, #tpu.memory_space<vmem_shared>>)
      tpu.yield
    }) : () -> ()
    %dma_wait3A_326 = arith.constant 0 : i32
    %dma_wait3A_327 = tpu.memref_slice %arg7[%dma_wait3A_326] : memref<10000xi32, #tpu.memory_space<vmem>> -> memref<40xi32, #tpu.memory_space<vmem>>
    %dma_wait3A_328 = arith.constant 0 : i32
    %dma_wait3A_329 = arith.constant 0 : i32
    %dma_wait3A_330 = tpu.memref_slice %arg2[%dma_wait3A_328, %dma_wait3A_329] : memref<10000x128xf32, #tpu.memory_space<hbm>> -> memref<10000x128xf32, #tpu.memory_space<hbm>>
    tpu.wait_indirect_dma semaphore(%arg16 : memref<!tpu.dma_semaphore, #tpu.memory_space<semaphore_mem>>) src(%dma_wait3A_330 : memref<10000x128xf32, #tpu.memory_space<hbm>>) dst(%arg11 : memref<40x128xf32, #tpu.memory_space<vmem>>)
    "tpu.region"() ({
      %run_scoped3A = tpu.sem_alloc : memref<!tpu.dma_semaphore, #tpu.memory_space<semaphore_mem>>
      %dma_start3A_346 = arith.constant 9880 : i32
      %dma_start3A_347 = tpu.memref_slice %arg8[%dma_start3A_346] : memref<10000xi32, #tpu.memory_space<vmem>> -> memref<40xi32, #tpu.memory_space<vmem>>
      %dma_start3A_348 = arith.constant 0 : i32
      %dma_start3A_349 = arith.constant 0 : i32
      %dma_start3A_350 = tpu.memref_slice %arg6[%dma_start3A_348, %dma_start3A_349] : memref<10240x128xf32, #tpu.memory_space<vmem_shared>> -> memref<10240x128xf32, #tpu.memory_space<vmem_shared>>
      tpu.enqueue_indirect_dma source(%arg11 : memref<40x128xf32, #tpu.memory_space<vmem>>) target(%dma_start3A_350 : memref<10240x128xf32, #tpu.memory_space<vmem_shared>>) offsets(%dma_start3A_347 : memref<40xi32, #tpu.memory_space<vmem>>) semaphore(%run_scoped3A : memref<!tpu.dma_semaphore, #tpu.memory_space<semaphore_mem>>) {add = true}
      %dma_wait3A_351 = arith.constant 9880 : i32
      %dma_wait3A_352 = tpu.memref_slice %arg8[%dma_wait3A_351] : memref<10000xi32, #tpu.memory_space<vmem>> -> memref<40xi32, #tpu.memory_space<vmem>>
      %dma_wait3A_353 = arith.constant 0 : i32
      %dma_wait3A_354 = arith.constant 0 : i32
      %dma_wait3A_355 = tpu.memref_slice %arg6[%dma_wait3A_353, %dma_wait3A_354] : memref<10240x128xf32, #tpu.memory_space<vmem_shared>> -> memref<10240x128xf32, #tpu.memory_space<vmem_shared>>
      tpu.wait_indirect_dma semaphore(%run_scoped3A : memref<!tpu.dma_semaphore, #tpu.memory_space<semaphore_mem>>) src(%arg11 : memref<40x128xf32, #tpu.memory_space<vmem>>) dst(%dma_wait3A_355 : memref<10240x128xf32, #tpu.memory_space<vmem_shared>>)
      tpu.yield
    }) : () -> ()
    %dma_wait3A_331 = arith.constant 0 : i32
    %dma_wait3A_332 = tpu.memref_slice %arg7[%dma_wait3A_331] : memref<10000xi32, #tpu.memory_space<vmem>> -> memref<40xi32, #tpu.memory_space<vmem>>
    %dma_wait3A_333 = arith.constant 0 : i32
    %dma_wait3A_334 = arith.constant 0 : i32
    %dma_wait3A_335 = tpu.memref_slice %arg2[%dma_wait3A_333, %dma_wait3A_334] : memref<10000x128xf32, #tpu.memory_space<hbm>> -> memref<10000x128xf32, #tpu.memory_space<hbm>>
    tpu.wait_indirect_dma semaphore(%arg17 : memref<!tpu.dma_semaphore, #tpu.memory_space<semaphore_mem>>) src(%dma_wait3A_335 : memref<10000x128xf32, #tpu.memory_space<hbm>>) dst(%arg12 : memref<40x128xf32, #tpu.memory_space<vmem>>)
    "tpu.region"() ({
      %run_scoped3A = tpu.sem_alloc : memref<!tpu.dma_semaphore, #tpu.memory_space<semaphore_mem>>
      %dma_start3A_346 = arith.constant 9920 : i32
      %dma_start3A_347 = tpu.memref_slice %arg8[%dma_start3A_346] : memref<10000xi32, #tpu.memory_space<vmem>> -> memref<40xi32, #tpu.memory_space<vmem>>
      %dma_start3A_348 = arith.constant 0 : i32
      %dma_start3A_349 = arith.constant 0 : i32
      %dma_start3A_350 = tpu.memref_slice %arg6[%dma_start3A_348, %dma_start3A_349] : memref<10240x128xf32, #tpu.memory_space<vmem_shared>> -> memref<10240x128xf32, #tpu.memory_space<vmem_shared>>
      tpu.enqueue_indirect_dma source(%arg12 : memref<40x128xf32, #tpu.memory_space<vmem>>) target(%dma_start3A_350 : memref<10240x128xf32, #tpu.memory_space<vmem_shared>>) offsets(%dma_start3A_347 : memref<40xi32, #tpu.memory_space<vmem>>) semaphore(%run_scoped3A : memref<!tpu.dma_semaphore, #tpu.memory_space<semaphore_mem>>) {add = true}
      %dma_wait3A_351 = arith.constant 9920 : i32
      %dma_wait3A_352 = tpu.memref_slice %arg8[%dma_wait3A_351] : memref<10000xi32, #tpu.memory_space<vmem>> -> memref<40xi32, #tpu.memory_space<vmem>>
      %dma_wait3A_353 = arith.constant 0 : i32
      %dma_wait3A_354 = arith.constant 0 : i32
      %dma_wait3A_355 = tpu.memref_slice %arg6[%dma_wait3A_353, %dma_wait3A_354] : memref<10240x128xf32, #tpu.memory_space<vmem_shared>> -> memref<10240x128xf32, #tpu.memory_space<vmem_shared>>
      tpu.wait_indirect_dma semaphore(%run_scoped3A : memref<!tpu.dma_semaphore, #tpu.memory_space<semaphore_mem>>) src(%arg12 : memref<40x128xf32, #tpu.memory_space<vmem>>) dst(%dma_wait3A_355 : memref<10240x128xf32, #tpu.memory_space<vmem_shared>>)
      tpu.yield
    }) : () -> ()
    %dma_wait3A_336 = arith.constant 0 : i32
    %dma_wait3A_337 = tpu.memref_slice %arg7[%dma_wait3A_336] : memref<10000xi32, #tpu.memory_space<vmem>> -> memref<40xi32, #tpu.memory_space<vmem>>
    %dma_wait3A_338 = arith.constant 0 : i32
    %dma_wait3A_339 = arith.constant 0 : i32
    %dma_wait3A_340 = tpu.memref_slice %arg2[%dma_wait3A_338, %dma_wait3A_339] : memref<10000x128xf32, #tpu.memory_space<hbm>> -> memref<10000x128xf32, #tpu.memory_space<hbm>>
    tpu.wait_indirect_dma semaphore(%arg18 : memref<!tpu.dma_semaphore, #tpu.memory_space<semaphore_mem>>) src(%dma_wait3A_340 : memref<10000x128xf32, #tpu.memory_space<hbm>>) dst(%arg13 : memref<40x128xf32, #tpu.memory_space<vmem>>)
    "tpu.region"() ({
      %run_scoped3A = tpu.sem_alloc : memref<!tpu.dma_semaphore, #tpu.memory_space<semaphore_mem>>
      %dma_start3A_346 = arith.constant 9960 : i32
      %dma_start3A_347 = tpu.memref_slice %arg8[%dma_start3A_346] : memref<10000xi32, #tpu.memory_space<vmem>> -> memref<40xi32, #tpu.memory_space<vmem>>
      %dma_start3A_348 = arith.constant 0 : i32
      %dma_start3A_349 = arith.constant 0 : i32
      %dma_start3A_350 = tpu.memref_slice %arg6[%dma_start3A_348, %dma_start3A_349] : memref<10240x128xf32, #tpu.memory_space<vmem_shared>> -> memref<10240x128xf32, #tpu.memory_space<vmem_shared>>
      tpu.enqueue_indirect_dma source(%arg13 : memref<40x128xf32, #tpu.memory_space<vmem>>) target(%dma_start3A_350 : memref<10240x128xf32, #tpu.memory_space<vmem_shared>>) offsets(%dma_start3A_347 : memref<40xi32, #tpu.memory_space<vmem>>) semaphore(%run_scoped3A : memref<!tpu.dma_semaphore, #tpu.memory_space<semaphore_mem>>) {add = true}
      %dma_wait3A_351 = arith.constant 9960 : i32
      %dma_wait3A_352 = tpu.memref_slice %arg8[%dma_wait3A_351] : memref<10000xi32, #tpu.memory_space<vmem>> -> memref<40xi32, #tpu.memory_space<vmem>>
      %dma_wait3A_353 = arith.constant 0 : i32
      %dma_wait3A_354 = arith.constant 0 : i32
      %dma_wait3A_355 = tpu.memref_slice %arg6[%dma_wait3A_353, %dma_wait3A_354] : memref<10240x128xf32, #tpu.memory_space<vmem_shared>> -> memref<10240x128xf32, #tpu.memory_space<vmem_shared>>
      tpu.wait_indirect_dma semaphore(%run_scoped3A : memref<!tpu.dma_semaphore, #tpu.memory_space<semaphore_mem>>) src(%arg13 : memref<40x128xf32, #tpu.memory_space<vmem>>) dst(%dma_wait3A_355 : memref<10240x128xf32, #tpu.memory_space<vmem_shared>>)
      tpu.yield
    }) : () -> ()
    %barrier3A_341 = arith.constant 0 : index
    tpu.barrier barrier_id(%barrier3A_341)
    %mul3A_342 = arith.constant 640 : i32
    %mul3A_343 = arith.muli %arg1, %mul3A_342 : i32
    %mul3A_344 = arith.constant 640 : i32
    %mul3A_345 = arith.muli %arg1, %mul3A_344 : i32
    "tpu.region"() ({
      %run_scoped3A = tpu.sem_alloc : memref<!tpu.dma_semaphore, #tpu.memory_space<semaphore_mem>>
      %dma_start3A_346 = arith.constant 0 : i32
      %dma_start3A_347 = tpu.memref_slice %arg5[%arg0, %mul3A_345, %dma_start3A_346] : memref<2x10240x128xf32, #tpu.memory_space<hbm>> -> memref<1x640x128xf32, #tpu.memory_space<hbm>>
      %dma_start3A_348 = tpu.memref_squeeze %dma_start3A_347 : memref<1x640x128xf32, #tpu.memory_space<hbm>> -> memref<640x128xf32, #tpu.memory_space<hbm>>
      %dma_start3A_349 = arith.constant 0 : i32
      %dma_start3A_350 = tpu.memref_slice %arg6[%mul3A_343, %dma_start3A_349] : memref<10240x128xf32, #tpu.memory_space<vmem_shared>> -> memref<640x128xf32, #tpu.memory_space<vmem_shared>>
      tpu.enqueue_dma source(%dma_start3A_350 : memref<640x128xf32, #tpu.memory_space<vmem_shared>>) target(%dma_start3A_348 : memref<640x128xf32, #tpu.memory_space<hbm>>) target_semaphore(%run_scoped3A : memref<!tpu.dma_semaphore, #tpu.memory_space<semaphore_mem>>)
      %dma_wait3A_351 = arith.constant 0 : i32
      %dma_wait3A_352 = tpu.memref_slice %arg5[%arg0, %mul3A_345, %dma_wait3A_351] : memref<2x10240x128xf32, #tpu.memory_space<hbm>> -> memref<1x640x128xf32, #tpu.memory_space<hbm>>
      %dma_wait3A_353 = tpu.memref_squeeze %dma_wait3A_352 : memref<1x640x128xf32, #tpu.memory_space<hbm>> -> memref<640x128xf32, #tpu.memory_space<hbm>>
      %dma_wait3A_354 = arith.constant 0 : i32
      %dma_wait3A_355 = tpu.memref_slice %arg6[%mul3A_343, %dma_wait3A_354] : memref<10240x128xf32, #tpu.memory_space<vmem_shared>> -> memref<640x128xf32, #tpu.memory_space<vmem_shared>>
      tpu.wait_dma2 semaphore(%run_scoped3A : memref<!tpu.dma_semaphore, #tpu.memory_space<semaphore_mem>>) src(%dma_wait3A_355 : memref<640x128xf32, #tpu.memory_space<vmem_shared>>) dst(%dma_wait3A_353 : memref<640x128xf32, #tpu.memory_space<hbm>>)
      tpu.yield
    }) : () -> ()
    return
  }
}

module attributes {stable_mosaic.version = 14 : i64} {
  func.func @_norm_body(%arg0: i32, %arg1: memref<400x128xf32, #tpu.memory_space<vmem>>, %arg2: memref<128x128xf32, #tpu.memory_space<vmem>>, %arg3: memref<400x32xf32, #tpu.memory_space<vmem>>, %arg4: memref<400x128xf32, #tpu.memory_space<vmem>>) attributes {dimension_semantics = [#tpu.dimension_semantics<arbitrary>], iteration_bounds = array<i64: 25>, scalar_prefetch = 0 : i64, scratch_operands = 0 : i64, tpu.core_type = #tpu.core_type<tc>, window_params = [{transform_indices = @transform_0, window_bounds = array<i64: 400, 128>}, {pipeline_mode = #tpu.pipeline_mode<synchronous>, transform_indices = @transform_1, window_bounds = array<i64: 128, 128>}, {transform_indices = @transform_2, window_bounds = array<i64: 400, 32>}, {transform_indices = @transform_3, window_bounds = array<i64: 400, 128>}]} {
    %get3A = arith.constant 0 : index
    %get3A_0 = arith.constant 0 : index
    %get3A_1 = vector.load %arg1[%get3A, %get3A_0] : memref<400x128xf32, #tpu.memory_space<vmem>>, vector<400x128xf32>
    %get3A_2 = arith.constant 0 : index
    %get3A_3 = arith.constant 0 : index
    %get3A_4 = vector.load %arg2[%get3A_2, %get3A_3] : memref<128x128xf32, #tpu.memory_space<vmem>>, vector<128x128xf32>
    %dot_general3A = arith.constant dense<0.000000e+00> : vector<400x128xf32>
    %dot_general3A_5 = tpu.matmul %get3A_1, %get3A_4, %dot_general3A {dimension_numbers = #tpu.dot_dimension_numbers<[1], [0], [0], [1], [0, 0, 1, 1], [], []>, transpose_lhs_hint = false} : vector<400x128xf32>, vector<128x128xf32>, vector<400x128xf32> -> vector<400x128xf32>
    %get3A_6 = arith.constant 0 : index
    %get3A_7 = arith.constant 0 : index
    %get3A_8 = vector.load %arg3[%get3A_6, %get3A_7] : memref<400x32xf32, #tpu.memory_space<vmem>>, vector<400x32xf32>
    %reduce_sum3A = arith.constant dense<0.000000e+00> : vector<400xf32>
    %reduce_sum3A_9 = vector.multi_reduction <add>, %get3A_8, %reduce_sum3A [1] : vector<400x32xf32> to vector<400xf32>
    %add3A = arith.constant 1.000000e+00 : f32
    %add3A_10 = vector.broadcast %add3A : f32 to vector<400xf32>
    %add3A_11 = arith.addf %reduce_sum3A_9, %add3A_10 : vector<400xf32>
    %rsqrt3A = math.rsqrt %add3A_11 : vector<400xf32>
    %broadcast_in_dim3A = vector.shape_cast %rsqrt3A : vector<400xf32> to vector<400x1xf32>
    %mul3A = vector.broadcast %broadcast_in_dim3A : vector<400x1xf32> to vector<400x128xf32>
    %mul3A_12 = arith.mulf %dot_general3A_5, %mul3A : vector<400x128xf32>
    %swap3A = arith.constant 0 : index
    %swap3A_13 = arith.constant 0 : index
    %swap3A_14 = vector.load %arg4[%swap3A, %swap3A_13] : memref<400x128xf32, #tpu.memory_space<vmem>>, vector<400x128xf32>
    tpu.vector_store %arg4[%swap3A, %swap3A_13], %mul3A_12 {strides = array<i32>} : memref<400x128xf32, #tpu.memory_space<vmem>>, vector<400x128xf32>,
    return
  }
  func.func @transform_0(%arg0: i32) -> (i32, i32) {
    %c0_i32 = arith.constant 0 : i32
    %c0_i32_0 = arith.constant 0 : i32
    return %arg0, %c0_i32 : i32, i32
  }
  func.func @transform_1(%arg0: i32) -> (i32, i32) {
    %c0_i32 = arith.constant 0 : i32
    %c0_i32_0 = arith.constant 0 : i32
    %c0_i32_1 = arith.constant 0 : i32
    return %c0_i32, %c0_i32_0 : i32, i32
  }
  func.func @transform_2(%arg0: i32) -> (i32, i32) {
    %c0_i32 = arith.constant 0 : i32
    %c0_i32_0 = arith.constant 0 : i32
    return %arg0, %c0_i32 : i32, i32
  }
  func.func @transform_3(%arg0: i32) -> (i32, i32) {
    %c0_i32 = arith.constant 0 : i32
    %c0_i32_0 = arith.constant 0 : i32
    return %arg0, %c0_i32 : i32, i32
  }
}

module attributes {stable_mosaic.version = 14 : i64} {
  func.func @_final_body(%arg0: i32, %arg1: memref<2x400x128xf32, #tpu.memory_space<vmem>>, %arg2: memref<400x128xf32, #tpu.memory_space<vmem>>, %arg3: memref<400x32xf32, #tpu.memory_space<vmem>>, %arg4: memref<1x128xf32, #tpu.memory_space<vmem>>, %arg5: memref<400x128xf32, #tpu.memory_space<vmem>>) attributes {dimension_semantics = [#tpu.dimension_semantics<arbitrary>], iteration_bounds = array<i64: 25>, scalar_prefetch = 0 : i64, scratch_operands = 0 : i64, tpu.core_type = #tpu.core_type<tc>, window_params = [{transform_indices = @transform_0, window_bounds = array<i64: 2, 400, 128>}, {transform_indices = @transform_1, window_bounds = array<i64: 400, 128>}, {transform_indices = @transform_2, window_bounds = array<i64: 400, 32>}, {pipeline_mode = #tpu.pipeline_mode<synchronous>, transform_indices = @transform_3, window_bounds = array<i64: 1, 128>}, {transform_indices = @transform_4, window_bounds = array<i64: 400, 128>}]} {
    %get3A = arith.constant 0 : index
    %get3A_0 = arith.constant 0 : index
    %get3A_1 = vector.load %arg3[%get3A, %get3A_0] : memref<400x32xf32, #tpu.memory_space<vmem>>, vector<400x32xf32>
    %reduce_sum3A = arith.constant dense<0.000000e+00> : vector<400xf32>
    %reduce_sum3A_2 = vector.multi_reduction <add>, %get3A_1, %reduce_sum3A [1] : vector<400x32xf32> to vector<400xf32>
    %add3A = arith.constant 1.000000e+00 : f32
    %add3A_3 = vector.broadcast %add3A : f32 to vector<400xf32>
    %add3A_4 = arith.addf %reduce_sum3A_2, %add3A_3 : vector<400xf32>
    %rsqrt3A = math.rsqrt %add3A_4 : vector<400xf32>
    %get3A_5 = arith.constant 0 : index
    %get3A_6 = arith.constant 0 : index
    %get3A_7 = arith.constant 0 : index
    %get3A_8 = vector.load %arg1[%get3A_5, %get3A_6, %get3A_7] : memref<2x400x128xf32, #tpu.memory_space<vmem>>, vector<1x400x128xf32>
    %get3A_9 = vector.shape_cast %get3A_8 : vector<1x400x128xf32> to vector<400x128xf32>
    %get3A_10 = arith.constant 1 : index
    %get3A_11 = arith.constant 0 : index
    %get3A_12 = arith.constant 0 : index
    %get3A_13 = vector.load %arg1[%get3A_10, %get3A_11, %get3A_12] : memref<2x400x128xf32, #tpu.memory_space<vmem>>, vector<1x400x128xf32>
    %get3A_14 = vector.shape_cast %get3A_13 : vector<1x400x128xf32> to vector<400x128xf32>
    %add3A_15 = arith.addf %get3A_9, %get3A_14 : vector<400x128xf32>
    %get3A_16 = arith.constant 0 : index
    %get3A_17 = arith.constant 0 : index
    %get3A_18 = vector.load %arg2[%get3A_16, %get3A_17] : memref<400x128xf32, #tpu.memory_space<vmem>>, vector<400x128xf32>
    %add3A_19 = arith.addf %add3A_15, %get3A_18 : vector<400x128xf32>
    %broadcast_in_dim3A = vector.shape_cast %rsqrt3A : vector<400xf32> to vector<400x1xf32>
    %mul3A = vector.broadcast %broadcast_in_dim3A : vector<400x1xf32> to vector<400x128xf32>
    %mul3A_20 = arith.mulf %mul3A, %add3A_19 : vector<400x128xf32>
    %get3A_21 = arith.constant 0 : index
    %get3A_22 = arith.constant 0 : index
    %get3A_23 = vector.load %arg4[%get3A_21, %get3A_22] : memref<1x128xf32, #tpu.memory_space<vmem>>, vector<1x128xf32>
    %add3A_24 = vector.broadcast %get3A_23 : vector<1x128xf32> to vector<400x128xf32>
    %add3A_25 = arith.addf %mul3A_20, %add3A_24 : vector<400x128xf32>
    %swap3A = arith.constant 0 : index
    %swap3A_26 = arith.constant 0 : index
    %swap3A_27 = vector.load %arg5[%swap3A, %swap3A_26] : memref<400x128xf32, #tpu.memory_space<vmem>>, vector<400x128xf32>
    tpu.vector_store %arg5[%swap3A, %swap3A_26], %add3A_25 {strides = array<i32>} : memref<400x128xf32, #tpu.memory_space<vmem>>, vector<400x128xf32>,
    return
  }
  func.func @transform_0(%arg0: i32) -> (i32, i32, i32) {
    %c0_i32 = arith.constant 0 : i32
    %c0_i32_0 = arith.constant 0 : i32
    %c0_i32_1 = arith.constant 0 : i32
    return %c0_i32, %arg0, %c0_i32_0 : i32, i32, i32
  }
  func.func @transform_1(%arg0: i32) -> (i32, i32) {
    %c0_i32 = arith.constant 0 : i32
    %c0_i32_0 = arith.constant 0 : i32
    return %arg0, %c0_i32 : i32, i32
  }
  func.func @transform_2(%arg0: i32) -> (i32, i32) {
    %c0_i32 = arith.constant 0 : i32
    %c0_i32_0 = arith.constant 0 : i32
    return %arg0, %c0_i32 : i32, i32
  }
  func.func @transform_3(%arg0: i32) -> (i32, i32) {
    %c0_i32 = arith.constant 0 : i32
    %c0_i32_0 = arith.constant 0 : i32
    %c0_i32_1 = arith.constant 0 : i32
    return %c0_i32, %c0_i32_0 : i32, i32
  }
  func.func @transform_4(%arg0: i32) -> (i32, i32) {
    %c0_i32 = arith.constant 0 : i32
    %c0_i32_0 = arith.constant 0 : i32
    return %arg0, %c0_i32 : i32, i32
  }
}

</mosaic_0001>

<sc_bundles>
// kernel: kernel.6.cloned.1.call-start
scs
__scs_entry_jumppad:
0x0: {  	(pc) =	sbr.rel $0x88, $3  }
0x1: {  	(tag) =	ssettag $0x0;
	lr =	simm.s32 $0x1  }
0x2: {  	[smem:$0x3F9D] =	sst lr;
	_ =	strace $0xD0000000  }
0x3: {  	_ = 	snop  }
0x4: {  	_ = 	snop  }
0x5: {  	_ = 	snop  }
0x6: {  	_ = 	snop  }
0x7: {  	_ = 	snop  }
__scs_overlays_trampoline_lowered:
0x8: {  	[smem:$0x3FAC] =	sst s0  }
0x9: {  	[smem:$0x3FAD] =	sst s1  }
0xa: {  	[smem:$0x3FAE] =	sst s2  }
0xb: {  	[smem:$0x3FAF] =	sst s3  }
0xc: {  	[smem:$0x3FB0] =	sst s4  }
0xd: {  	[smem:$0x3FB1] =	sst s5  }
0xe: {  	[smem:$0x3FB2] =	sst s6  }
0xf: {  	[smem:$0x3FB3] =	sst s7  }
0x10: {  	[smem:$0x3FB4] =	sst s8  }
0x11: {  	[smem:$0x3FB5] =	sst s9;
	s0 =	simm.s32 @!p0 $0x0  }
0x12: {  	s1 =	sld [smem:$0x3F9B];
	s0 =	simm.s32 @p0 $0x1  }
0x13: {  	[smem:$0x3FB6] =	sst s0;
	s0 =	simm.s32 @!p1 $0x0  }
0x14: {  	s2 =	sld [smem:$0x3F9A];
	s0 =	simm.s32 @p1 $0x1  }
0x15: {  	[smem:$0x3FB7] =	sst s0;
	s0 =	simm.s32 @!p2 $0x0  }
0x16: {  	s3 =	sld [smem:$0x3FDB];
	s0 =	simm.s32 @p2 $0x1  }
0x17: {  	s4 =	simm.s32 $0x1BF5;
	[smem:$0x3FB9] =	sst s0  }
0x18: {  	s0 =	sld [smem:$0x3F9C];
	_ =	swait.ge [sflag:s4], $0x0  }
0x19: {  	s7 =	sld [smem:$0x3F9D]  }
0x1a: {  	s8 =	sadd.s32 $0xFFFFE003, lr  }
0x1b: {  	s9 =	sadd.s32 $0xFFFFFEF7, lr;
	s5 =	simm.s32 $0xFFFFFFFF;
	p2 =	slt.u32 s8, $0xFFFFF086  }
0x1c: {  	p1 =	slt.u32 s9, $0xF7A;
	s5 =	simm.s32 @!p2 $0x0  }
0x1d: {  	s5 =	simm.s32 @p1 $0x1;
	p0 =	seq.s32 s7, s2  }
0x1e: {  	s7 =	smul.u32 @!p0 $0xF7A, s2;
	p2 =	seq.s32 @!p0 s5, $0x0  }
0x1f: {  	s9 =	smul.u32 $0xF7A, s1;
	s8 =	simm.s32 @!p0 $0x1BF5;
	p2 =	por !p2, p0  }
0x20: {  	[sflag:s8] =	ssyncset.s32 @!p0 $0xFFFFF086;
	s6 =	sadd.s32 @!p0 s3, s7;
	s7 =	simm.s32 @!p0 $0x108  }
0x21: {  	s3 =	sadd.s32 s3, s9;
	s6 =	sadd.s32 @!p0 $0x88, s6;
	s7 =	simm.s32 @p2 $0x1082  }
0x22: {  	[simem:s7], [sflag:s8] =	dma.local @!p0 [hbm:s6], $0xF7A  }
0x23: {  	s9 =	sor.u32 $0xD0000000, s2;
	s6 =	simm.s32 $0x108;
	_ =	swait.ge @!p0 [sflag:s8], $0x0  }
0x24: {  	s3 =	sadd.s32 $0x88, s3;
	s6 =	simm.s32 @!p1 $0x1082;
	[sflag:s4] =	ssyncset.s32 $0xFFFFF086  }
0x25: {  	[simem:s6], [sflag:s4] =	dma.local [hbm:s3], $0xF7A  }
0x26: {  	[smem:$0x3F9D] =	sst s1;
	(tag) =	ssettag s2;
	_ =	strace s9  }
0x27: {  	s1 =	sld [smem:$0x3FAD]  }
0x28: {  	s2 =	sld [smem:$0x3FAE]  }
0x29: {  	s4 =	sld [smem:$0x3FB0]  }
0x2a: {  	p0 =	seq.s32 s5, $0x0;
	s5 =	sld [smem:$0x3FB1]  }
0x2b: {  	s6 =	sld [smem:$0x3FB2]  }
0x2c: {  	s7 =	sld [smem:$0x3FB3]  }
0x2d: {  	s3 =	simm.s32 $0x108;
	s8 =	sld [smem:$0x3FB4]  }
0x2e: {  	s3 =	simm.s32 @!p0 $0x1082;
	s9 =	sld [smem:$0x3FB5]  }
0x2f: {  	lr =	sadd.s32 s0, s3;
	s0 =	sld [smem:$0x3FAC]  }
0x30: {  	s3 =	sld [smem:$0x3FAF]  }
0x31: {  	[smem:$0x3FB8] =	sst s10  }
0x32: {  	s10 =	sld [smem:$0x3FB6];
	_ =	sdelay $0x3  }
0x33: {  	p0 =	seq.s32 s10, $0x1;
	s10 =	sld [smem:$0x3FB8];
	_ =	sdelay $0x3  }
0x34: {  	[smem:$0x3FB8] =	sst s10  }
0x35: {  	s10 =	sld [smem:$0x3FB7];
	_ =	sdelay $0x3  }
0x36: {  	p1 =	seq.s32 s10, $0x1;
	s10 =	sld [smem:$0x3FB8];
	_ =	sdelay $0x3  }
0x37: {  	[smem:$0x3FB8] =	sst s10  }
0x38: {  	s10 =	sld [smem:$0x3FB9]  }
0x39: {  	_ = 	snop;
	(pc) =	sbr.ind lr, $3  }
0x3a: {  	_ = 	snop  }
0x3b: {  	_ = 	snop  }
0x3c: {  	p2 =	seq.s32 s10, $0x1;
	s10 =	sld [smem:$0x3FB8]  }
0x3d: {  	_ =	shalt  }
0x3e: {  	_ =	shalt  }
0x3f: {  	_ =	shalt  }
0x40: {  	_ =	shalt  }
0x41: {  	_ =	shalt  }
0x42: {  	_ =	shalt  }
0x43: {  	_ =	shalt  }
0x44: {  	_ =	shalt  }
0x45: {  	_ =	shalt  }
0x46: {  	_ =	shalt  }
0x47: {  	_ =	shalt  }
0x48: {  	_ =	shalt  }
0x49: {  	_ =	shalt  }
0x4a: {  	_ =	shalt  }
0x4b: {  	_ =	shalt  }
0x4c: {  	_ =	shalt  }
0x4d: {  	_ =	shalt  }
0x4e: {  	_ =	shalt  }
0x4f: {  	_ =	shalt  }
0x50: {  	_ =	shalt  }
0x51: {  	_ =	shalt  }
0x52: {  	_ =	shalt  }
0x53: {  	_ =	shalt  }
0x54: {  	_ =	shalt  }
0x55: {  	_ =	shalt  }
0x56: {  	_ =	shalt  }
0x57: {  	_ =	shalt  }
0x58: {  	_ =	shalt  }
0x59: {  	_ =	shalt  }
0x5a: {  	_ =	shalt  }
0x5b: {  	_ =	shalt  }
0x5c: {  	_ =	shalt  }
0x5d: {  	_ =	shalt  }
0x5e: {  	_ =	shalt  }
0x5f: {  	_ =	shalt  }
0x60: {  	_ =	shalt  }
0x61: {  	_ =	shalt  }
0x62: {  	_ =	shalt  }
0x63: {  	_ =	shalt  }
0x64: {  	_ =	shalt  }
0x65: {  	_ =	shalt  }
0x66: {  	_ =	shalt  }
0x67: {  	_ =	shalt  }
0x68: {  	_ =	shalt  }
0x69: {  	_ =	shalt  }
0x6a: {  	_ =	shalt  }
0x6b: {  	_ =	shalt  }
0x6c: {  	_ =	shalt  }
0x6d: {  	_ =	shalt  }
0x6e: {  	_ =	shalt  }
0x6f: {  	_ =	shalt  }
0x70: {  	_ =	shalt  }
0x71: {  	_ =	shalt  }
0x72: {  	_ =	shalt  }
0x73: {  	_ =	shalt  }
0x74: {  	_ =	shalt  }
0x75: {  	_ =	shalt  }
0x76: {  	_ =	shalt  }
0x77: {  	_ =	shalt  }
0x78: {  	_ =	shalt  }
0x79: {  	_ =	shalt  }
0x7a: {  	_ =	shalt  }
0x7b: {  	_ =	shalt  }
0x7c: {  	_ =	shalt  }
0x7d: {  	_ =	shalt  }
0x7e: {  	_ =	shalt  }
0x7f: {  	_ =	shalt  }
0x80: {  	_ =	shalt  }
0x81: {  	_ =	shalt  }
0x82: {  	_ =	shalt  }
0x83: {  	_ =	shalt  }
0x84: {  	_ =	shalt  }
0x85: {  	_ =	shalt  }
0x86: {  	_ =	shalt  }
0x87: {  	_ =	shalt  }
.Lfunc_end0:
.L_simem_size_0:
called_computation_lowered:
.L_overlay_start_0:
0x88: {  	s2 =	sld [smem:$0x3FD9]  }
0x89: {  	s3 =	sld [smem:$0x3FFE];
	_ =	sdelay $0x1  }
0x8a: {  	s1 =	srdreg.scid  }
0x8b: {  	s0 =	sand.u32 $0x1, s1  }
0x8c: {  	s17 =	sshll.u32 s0, $0xA;
	s2 =	sadd.s32 s3, s2  }
0x8d: {  	s2 =	sadd.s32 s2, s17  }
0x8e: {  	[smem:$0x3FC4] =	sst s2  }
0x8f: {  	_ = 	snop  }
0x90: {  	s2 =	sld [smem:$0x3FD0];
	(tm) =	ssettm $0x1  }
0x91: {  	s18 =	sld [smem:$0x3FFB];
	_ =	sdelay $0x3  }
0x92: {  	_ =	strace s18  }
0x93: {  	s3 =	sld [smem:$0x3FFC];
	_ =	sdelay $0x3  }
0x94: {  	_ =	strace s3  }
0x95: {  	s3 =	sld [smem:$0x3FFD];
	_ =	sdelay $0x3  }
0x96: {  	_ =	strace s3  }
0x97: {  	_ =	strace $0x8FFFFFFF  }
0x98: {  	s19 =	sld [smem:$0x3FDB];
	_ =	sdelay $0x1  }
0x99: {  	s4 =	simm.s32 $_scs_section_size  }
0x9a: {  	s5 =	simm.s32 $_size__tile_overlayer_lowered;
	s6 =	simm.s32 $_tile_overlayer_lowered  }
0x9b: {  	s22 =	simm.s32 $0x1BFF;
	s21 =	sshll.u32 s6, $0x1;
	s3 =	sadd.s32 s4, s19  }
0x9c: {  	s7 =	simm.s32 $0x0;
	s20 =	sshll.u32 s5, $0x1;
	s5 =	sadd.s32 s21, s3  }
0x9d: {  	[timem:s7], [sflag:s22] =	dma.local [hbm:s5], s20  }
0x9e: {  	_ =	swait.ge [sflag:s22], s20  }
0x9f: {  	s4 =	ssub.s32 $0x0, s20;
	[sflag:s22] =	ssyncset.done $0x0  }
0xa0: {  	[sflag:s22] =	ssyncadd.s32 s4;
	_ =	sdelay $0x1  }
0xa1: {  	s23 =	simm.s32 $0x1B8B  }
0xa2: {  	_ =	swait.ge [sflag:s23], $0x1  }
0xa3: {  	[sflag:s23] =	ssyncset.done $0x0  }
0xa4: {  	s25 =	simm.s32 $0x1B8E;
	s24 =	sld [smem:$0x3FFE];
	[sflag:s23] =	ssyncadd.s32 $0xFFFFFFFF  }
0xa5: {  	s26 =	simm.s32 $execute0_lowered;
	[smem:$0x3FD2] =	sst s25  }
0xa6: {  	s5 =	sshll.u32 s26, $0x1;
	_ =	strace $0x80000046;
	[dreg:$0x1] =	wrdreg $0xFFFFFFFF  }
0xa7: {  	s28 =	simm.s32 $_size_execute0_lowered;
	s3 =	sadd.s32 s3, s5;
	[dreg:$0x0] =	wrdreg $0x0  }
0xa8: {  	s5 =	sshll.u32 s28, $0x1;
	[dreg:$0x2] =	wrdreg s3  }
0xa9: {  	[dreg:$0x3] =	wrdreg s5  }
0xaa: {  	[dreg:$0x4] =	wrdreg $0xC0  }
0xab: {  	_ =	task [dreg:s7], $0x5FFFF  }
0xac: {  	[dreg:$0x1] =	wrdreg $0xFFFFFFFF  }
0xad: {  	[dreg:$0x0] =	wrdreg $0x60  }
0xae: {  	[dreg:$0x2] =	wrdreg s24  }
0xaf: {  	[dreg:$0x3] =	wrdreg s2  }
0xb0: {  	[dreg:$0x4] =	wrdreg $0x9  }
0xb1: {  	_ =	task.clear_ibuf [dreg:s7], $0x5FFFF;
	_ =	strace $0x90000046  }
0xb2: {  	s29 =	simm.s32 $0x9;
	_ =	strace $0x80000048  }
0xb3: {  	_ =	swait.ge [sflag:s29], $0x1  }
0xb4: {  	[sflag:s29] =	ssyncadd.s32 $0xFFFFFFFF  }
0xb5: {  	_ =	strace $0x90000048  }
0xb6: {  	_ =	sfence  }
0xb7: {  	s30 =	sld [smem:$0x0];
	_ =	sdelay $0x2  }
0xb8: {  	s31 =	sshll.u32 s1, $0xD;
	s1 =	sshrl.u32 s1, $0x2  }
0xb9: {  	s3 =	sand.u32 $0x4000, s31;
	s1 =	sadd.s32 s1, s30  }
0xba: {  	s0 =	sor.u32 s3, s0;
	s1 =	sshll.u32 s1, $0x11  }
0xbb: {  	s0 =	sor.u32 s1, s0  }
0xbc: {  	s0 =	sadd.s32 $0x8F2B, s0  }
0xbd: {  	[sflag:s0] =	ssyncadd.remote.s32 $0x1  }
0xbe: {  	_ =	sfence.sel $0xFFFF  }
0xbf: {  	[dreg:$0x0] =	wrdreg $0xFFFFFFFF;
	(pc) =	sbr.abs _section_cstart, $3  }
0xc0: {  	[dreg:$0x1] =	wrdreg $0xFFFFFFFF  }
0xc1: {  	_ =	task.clear_ibuf [dreg:s7], $0x2FFFF;
	_ =	strace $0x9FFFFFFF  }
0xc2: {  	(tm) =	ssettm $0x7FFFFFFF  }
0xc3: {  	_ =	shalt  }
tec
execute0_lowered:
.L_overlay_start_1:
0x0: {  	(tag) =	ssettag $0x1  }
0x1: {  	s3 =	rddreg [dreg:$0x0];
	s1 =	srdreg.scid  }
0x2: {  	s0 =	stileid.u32;
	s5 =	rddreg [dreg:$0x1];
	s9 =	simm.s32 $0x4F00  }
0x3: {  	s10 =	simm.s32 $0x80;
	s11 =	simm.s32 $0x400;
	s12 =	simm.s32 $0x0  }
0x4: {  	s4 =	sand.u32 $0x1, s1;
	s2 =	sshll.u32 s0, $0x1;
	s8 =	sshrl.u32 s0, $0x2  }
0x5: {  	s1 =	rddreg [dreg:$0x2];
	s6 =	sor.u32 s4, s2;
	s8 =	smul.u32 $0x13C00, s8  }
0x6: {  	s2 =	simm.s32 $0x0;
	s4 =	ssub.s32 $0x2, s4;
	s7 =	smul.u32 $0x4E2, s6  }
0x7: {  	[smem:$0x7FF] =	sst s2;
	s6 =	sshll.u32 s6, $0x7;
	s30 =	sshrl.u32 s4, $0x1  }
0x8: {  	_ =	strace $0x80000047;
	s6 =	sand.u32 $0x380, s6;
	s31 =	ssub.s32 s4, s30  }
0x9: {  	s7 =	sadd.s32 s7, s3;
	s6 =	sor.u32 s8, s6;
	s8 =	simm.s32 $0x1  }
0xa: {  	s3 =	sadd.s32 $0xB600, s7;
	s6 =	sshrl.u32 s6, $0x3;
	s4 =	sadd.s32 $0x1800, s7  }
0xb: {  	v0 =	vimm.f32 $0.0e+00;
	v1 =	vimm.f32 $1.000000000e+00;
	s7 =	simm.s32 $0x2780;
	s5 =	sadd.s32 s5, s6;
	s6 =	smax.u32 s31, $0x1  }
.LBB2_1:
0xc: {  	[tilespmem:s7], [sflag:$0x1] =	stream.linear.gather [hbm4b:s3+s2], $0x2710, $0x38;
	[tilespmem:$0x7680] =	vst v63  }
0xd: {  	_ =	swait.ge [sflag:s8], $0x2710  }
0xe: {  	[sflag:s8] =	ssyncset.done $0x0  }
0xf: {  	[sflag:s8] =	ssyncadd.s32 $0xFFFFD8F0  }
0x10: {  	[tilespmem:s9], [sflag:$0x1] =	stream.linear.gather [hbm4b:s4+s2], $0x2710, $0x38;
	[tilespmem:$0x7680] =	vst v63  }
0x11: {  	_ =	swait.ge [sflag:s8], $0x2710  }
0x12: {  	[sflag:s8] =	ssyncset.done $0x0  }
0x13: {  	s13 =	simm.s32 $0x0;
	[sflag:s8] =	ssyncadd.s32 $0xFFFFD8F0  }
.LBB2_2:
0x14: {  	p0 =	sne.s32 s13, $0x9C00  }
.Ltmp0:
0x15: {  	_ = 	snop;
	(pc) =	sbr.rel @p0 .LBB2_2-.Ltmp0, $3  }
0x16: {  	_ =	sdelay $0x1  }
0x17: {  	s14 =	sshra.s32 s13, $0x2  }
0x18: {  	s13 =	sadd.s32 $0x40, s13;
	[tilespmem:s14+$0x0] =	vst v0  }
0x19: {  	s14 =	simm.s32 $0x0;
	s13 =	simm.s32 $0x40  }
.LBB2_4:
0x1a: {  	p0 =	sne.s32 s13, $0x9C00;
	v2 =	vld [tilespmem:s14+$0x2780]  }
0x1b: {  	v3 =	vld [tilespmem:s14+$0x4F00];
	_ =	sdelay $0x2  }
.Ltmp1:
0x1c: {  	(pc) =	sbr.rel @p0 .LBB2_4-.Ltmp1, $4  }
0x1d: {  	_ = 	snop  }
0x1e: {  	vm0 =	veq.s32 v2, v3  }
0x1f: {  	v3 =	vsel vm0, $0x0, v1  }
0x20: {  	s14 =	sshra.s32 s13, $0x2;
	s13 =	sadd.s32 $0x40, s13;
	[tilespmem:v2+s2+$0x0] =	vst.idx.add.f32.msk $0xffff, v3  }
0x21: {  	v2 =	vld [tilespmem:s14+$0x2780]  }
0x22: {  	v3 =	vld [tilespmem:s14+$0x4F00];
	_ =	sdelay $0x4  }
0x23: {  	s12 =	sadd.s32 $0x1, s12;
	vm0 =	veq.s32 v2, v3  }
0x24: {  	p0 =	sne.s32 s12, s6;
	v3 =	vsel vm0, $0x0, v1  }
.Ltmp2:
0x25: {  	[tilespmem:v2+s2+$0x0] =	vst.idx.add.f32.msk $0xffff, v3;
	(pc) =	sbr.rel @p0 .LBB2_1-.Ltmp2, $4  }
0x26: {  	[hbm4b:s5+s10] =	stream.strided.scatter [tilespmem:s2], [sflag:$0x1], $0x2780, s11, s10, $0x38;
	[tilespmem:$0x7680] =	vst v63  }
0x27: {  	_ =	swait.ge [sflag:s8], $0x2780  }
0x28: {  	[sflag:s8] =	ssyncset.done $0x0  }
0x29: {  	[sflag:s8] =	ssyncadd.s32 $0xFFFFD880  }
0x2a: {  	_ =	sfence.sel $0x180000  }
0x2b: {  	[bflag:$0x0] =	sbarrier.arrive $0xFFFF  }
0x2c: {  	p0 =	sne.s32 s0, $0x0;
	_ =	strace $0x90000047  }
0x2d: {  	s0 =	sadd.s32 @!p0 $0x100000, s1;
	[bflag:$0x2] =	sbarrier.arrive $0xFFFF  }
0x2e: {  	[sflag:s0] =	ssyncadd.tile.s32 @!p0 $0x1;
	_ =	shalt  }
.Lfunc_end2:
_tile_overlayer_lowered:
.L_overlay_start_2:
0x2f: {  	(tag) =	ssettag $0x2  }
0x30: {  	s0 =	rddreg [dreg:$0x0];
	s2 =	stileid.u32  }
0x31: {  	s1 =	rddreg [dreg:$0x1];
	p0 =	sne.s32 s2, $0x0  }
0x32: {  	s3 =	rddreg [dreg:$0x2];
	[bflag:$0x3] =	sbarrier.arrive $0xFFFF;
	s2 =	simm.s32 @!p0 $0x1C01  }
0x33: {  	[timem:s3], [sflag:s2] =	dma.local @!p0 [hbm:s0], s1  }
0x34: {  	s0 =	simm.s32 @!p0 $0x1  }
0x35: {  	_ =	swait.ge @!p0 [sflag:s0], s1  }
0x36: {  	s1 =	ssub.s32 @!p0 $0x0, s1;
	[sflag:s0] =	ssyncset.done @!p0 $0x0  }
0x37: {  	[sflag:s0] =	ssyncadd.s32 @!p0 s1  }
0x38: {  	[bflag:$0x3] =	sbarrier.arrive $0xFFFF  }
0x39: {  	_ =	shalt  }

// kernel: kernel.9.cloned.1.call-start
scs
__scs_entry_jumppad:
0x0: {  	(pc) =	sbr.rel $0x88, $3  }
0x1: {  	(tag) =	ssettag $0x0;
	lr =	simm.s32 $0x1  }
0x2: {  	[smem:$0x3F9D] =	sst lr;
	_ =	strace $0xD0000000  }
0x3: {  	_ = 	snop  }
0x4: {  	_ = 	snop  }
0x5: {  	_ = 	snop  }
0x6: {  	_ = 	snop  }
0x7: {  	_ = 	snop  }
__scs_overlays_trampoline_lowered:
0x8: {  	[smem:$0x3FAC] =	sst s0  }
0x9: {  	[smem:$0x3FAD] =	sst s1  }
0xa: {  	[smem:$0x3FAE] =	sst s2  }
0xb: {  	[smem:$0x3FAF] =	sst s3  }
0xc: {  	[smem:$0x3FB0] =	sst s4  }
0xd: {  	[smem:$0x3FB1] =	sst s5  }
0xe: {  	[smem:$0x3FB2] =	sst s6  }
0xf: {  	[smem:$0x3FB3] =	sst s7  }
0x10: {  	[smem:$0x3FB4] =	sst s8  }
0x11: {  	[smem:$0x3FB5] =	sst s9;
	s0 =	simm.s32 @!p0 $0x0  }
0x12: {  	s1 =	sld [smem:$0x3F9B];
	s0 =	simm.s32 @p0 $0x1  }
0x13: {  	[smem:$0x3FB6] =	sst s0;
	s0 =	simm.s32 @!p1 $0x0  }
0x14: {  	s2 =	sld [smem:$0x3F9A];
	s0 =	simm.s32 @p1 $0x1  }
0x15: {  	[smem:$0x3FB7] =	sst s0;
	s0 =	simm.s32 @!p2 $0x0  }
0x16: {  	s3 =	sld [smem:$0x3FDB];
	s0 =	simm.s32 @p2 $0x1  }
0x17: {  	s4 =	simm.s32 $0x1BF5;
	[smem:$0x3FB9] =	sst s0  }
0x18: {  	s0 =	sld [smem:$0x3F9C];
	_ =	swait.ge [sflag:s4], $0x0  }
0x19: {  	s7 =	sld [smem:$0x3F9D]  }
0x1a: {  	s8 =	sadd.s32 $0xFFFFE003, lr  }
0x1b: {  	s9 =	sadd.s32 $0xFFFFFEF7, lr;
	s5 =	simm.s32 $0xFFFFFFFF;
	p2 =	slt.u32 s8, $0xFFFFF086  }
0x1c: {  	p1 =	slt.u32 s9, $0xF7A;
	s5 =	simm.s32 @!p2 $0x0  }
0x1d: {  	s5 =	simm.s32 @p1 $0x1;
	p0 =	seq.s32 s7, s2  }
0x1e: {  	s7 =	smul.u32 @!p0 $0xF7A, s2;
	p2 =	seq.s32 @!p0 s5, $0x0  }
0x1f: {  	s9 =	smul.u32 $0xF7A, s1;
	s8 =	simm.s32 @!p0 $0x1BF5;
	p2 =	por !p2, p0  }
0x20: {  	[sflag:s8] =	ssyncset.s32 @!p0 $0xFFFFF086;
	s6 =	sadd.s32 @!p0 s3, s7;
	s7 =	simm.s32 @!p0 $0x108  }
0x21: {  	s3 =	sadd.s32 s3, s9;
	s6 =	sadd.s32 @!p0 $0x88, s6;
	s7 =	simm.s32 @p2 $0x1082  }
0x22: {  	[simem:s7], [sflag:s8] =	dma.local @!p0 [hbm:s6], $0xF7A  }
0x23: {  	s9 =	sor.u32 $0xD0000000, s2;
	s6 =	simm.s32 $0x108;
	_ =	swait.ge @!p0 [sflag:s8], $0x0  }
0x24: {  	s3 =	sadd.s32 $0x88, s3;
	s6 =	simm.s32 @!p1 $0x1082;
	[sflag:s4] =	ssyncset.s32 $0xFFFFF086  }
0x25: {  	[simem:s6], [sflag:s4] =	dma.local [hbm:s3], $0xF7A  }
0x26: {  	[smem:$0x3F9D] =	sst s1;
	(tag) =	ssettag s2;
	_ =	strace s9  }
0x27: {  	s1 =	sld [smem:$0x3FAD]  }
0x28: {  	s2 =	sld [smem:$0x3FAE]  }
0x29: {  	s4 =	sld [smem:$0x3FB0]  }
0x2a: {  	p0 =	seq.s32 s5, $0x0;
	s5 =	sld [smem:$0x3FB1]  }
0x2b: {  	s6 =	sld [smem:$0x3FB2]  }
0x2c: {  	s7 =	sld [smem:$0x3FB3]  }
0x2d: {  	s3 =	simm.s32 $0x108;
	s8 =	sld [smem:$0x3FB4]  }
0x2e: {  	s3 =	simm.s32 @!p0 $0x1082;
	s9 =	sld [smem:$0x3FB5]  }
0x2f: {  	lr =	sadd.s32 s0, s3;
	s0 =	sld [smem:$0x3FAC]  }
0x30: {  	s3 =	sld [smem:$0x3FAF]  }
0x31: {  	[smem:$0x3FB8] =	sst s10  }
0x32: {  	s10 =	sld [smem:$0x3FB6];
	_ =	sdelay $0x3  }
0x33: {  	p0 =	seq.s32 s10, $0x1;
	s10 =	sld [smem:$0x3FB8];
	_ =	sdelay $0x3  }
0x34: {  	[smem:$0x3FB8] =	sst s10  }
0x35: {  	s10 =	sld [smem:$0x3FB7];
	_ =	sdelay $0x3  }
0x36: {  	p1 =	seq.s32 s10, $0x1;
	s10 =	sld [smem:$0x3FB8];
	_ =	sdelay $0x3  }
0x37: {  	[smem:$0x3FB8] =	sst s10  }
0x38: {  	s10 =	sld [smem:$0x3FB9]  }
0x39: {  	_ = 	snop;
	(pc) =	sbr.ind lr, $3  }
0x3a: {  	_ = 	snop  }
0x3b: {  	_ = 	snop  }
0x3c: {  	p2 =	seq.s32 s10, $0x1;
	s10 =	sld [smem:$0x3FB8]  }
0x3d: {  	_ =	shalt  }
0x3e: {  	_ =	shalt  }
0x3f: {  	_ =	shalt  }
0x40: {  	_ =	shalt  }
0x41: {  	_ =	shalt  }
0x42: {  	_ =	shalt  }
0x43: {  	_ =	shalt  }
0x44: {  	_ =	shalt  }
0x45: {  	_ =	shalt  }
0x46: {  	_ =	shalt  }
0x47: {  	_ =	shalt  }
0x48: {  	_ =	shalt  }
0x49: {  	_ =	shalt  }
0x4a: {  	_ =	shalt  }
0x4b: {  	_ =	shalt  }
0x4c: {  	_ =	shalt  }
0x4d: {  	_ =	shalt  }
0x4e: {  	_ =	shalt  }
0x4f: {  	_ =	shalt  }
0x50: {  	_ =	shalt  }
0x51: {  	_ =	shalt  }
0x52: {  	_ =	shalt  }
0x53: {  	_ =	shalt  }
0x54: {  	_ =	shalt  }
0x55: {  	_ =	shalt  }
0x56: {  	_ =	shalt  }
0x57: {  	_ =	shalt  }
0x58: {  	_ =	shalt  }
0x59: {  	_ =	shalt  }
0x5a: {  	_ =	shalt  }
0x5b: {  	_ =	shalt  }
0x5c: {  	_ =	shalt  }
0x5d: {  	_ =	shalt  }
0x5e: {  	_ =	shalt  }
0x5f: {  	_ =	shalt  }
0x60: {  	_ =	shalt  }
0x61: {  	_ =	shalt  }
0x62: {  	_ =	shalt  }
0x63: {  	_ =	shalt  }
0x64: {  	_ =	shalt  }
0x65: {  	_ =	shalt  }
0x66: {  	_ =	shalt  }
0x67: {  	_ =	shalt  }
0x68: {  	_ =	shalt  }
0x69: {  	_ =	shalt  }
0x6a: {  	_ =	shalt  }
0x6b: {  	_ =	shalt  }
0x6c: {  	_ =	shalt  }
0x6d: {  	_ =	shalt  }
0x6e: {  	_ =	shalt  }
0x6f: {  	_ =	shalt  }
0x70: {  	_ =	shalt  }
0x71: {  	_ =	shalt  }
0x72: {  	_ =	shalt  }
0x73: {  	_ =	shalt  }
0x74: {  	_ =	shalt  }
0x75: {  	_ =	shalt  }
0x76: {  	_ =	shalt  }
0x77: {  	_ =	shalt  }
0x78: {  	_ =	shalt  }
0x79: {  	_ =	shalt  }
0x7a: {  	_ =	shalt  }
0x7b: {  	_ =	shalt  }
0x7c: {  	_ =	shalt  }
0x7d: {  	_ =	shalt  }
0x7e: {  	_ =	shalt  }
0x7f: {  	_ =	shalt  }
0x80: {  	_ =	shalt  }
0x81: {  	_ =	shalt  }
0x82: {  	_ =	shalt  }
0x83: {  	_ =	shalt  }
0x84: {  	_ =	shalt  }
0x85: {  	_ =	shalt  }
0x86: {  	_ =	shalt  }
0x87: {  	_ =	shalt  }
.Lfunc_end0:
.L_simem_size_0:
called_computation.1_lowered:
.L_overlay_start_0:
0x88: {  	s2 =	sld [smem:$0x3FD9]  }
0x89: {  	s3 =	sld [smem:$0x3FFE];
	_ =	sdelay $0x1  }
0x8a: {  	s1 =	srdreg.scid  }
0x8b: {  	s0 =	sand.u32 $0x1, s1  }
0x8c: {  	s17 =	sshll.u32 s0, $0xA;
	s2 =	sadd.s32 s3, s2  }
0x8d: {  	s2 =	sadd.s32 s2, s17  }
0x8e: {  	[smem:$0x3FC4] =	sst s2  }
0x8f: {  	_ = 	snop  }
0x90: {  	s2 =	sld [smem:$0x3FD0];
	(tm) =	ssettm $0x1  }
0x91: {  	s18 =	sld [smem:$0x3FFB];
	_ =	sdelay $0x3  }
0x92: {  	_ =	strace s18  }
0x93: {  	s3 =	sld [smem:$0x3FFC];
	_ =	sdelay $0x3  }
0x94: {  	_ =	strace s3  }
0x95: {  	s3 =	sld [smem:$0x3FFD];
	_ =	sdelay $0x3  }
0x96: {  	_ =	strace s3  }
0x97: {  	_ =	strace $0x8FFFFFFF  }
0x98: {  	s19 =	sld [smem:$0x3FDB];
	_ =	sdelay $0x1  }
0x99: {  	s4 =	simm.s32 $_scs_section_size  }
0x9a: {  	s5 =	simm.s32 $_size__tile_overlayer_lowered;
	s6 =	simm.s32 $_tile_overlayer_lowered  }
0x9b: {  	s22 =	simm.s32 $0x1BFF;
	s21 =	sshll.u32 s6, $0x1;
	s3 =	sadd.s32 s4, s19  }
0x9c: {  	s7 =	simm.s32 $0x0;
	s20 =	sshll.u32 s5, $0x1;
	s5 =	sadd.s32 s21, s3  }
0x9d: {  	[timem:s7], [sflag:s22] =	dma.local [hbm:s5], s20  }
0x9e: {  	_ =	swait.ge [sflag:s22], s20  }
0x9f: {  	s4 =	ssub.s32 $0x0, s20;
	[sflag:s22] =	ssyncset.done $0x0  }
0xa0: {  	[sflag:s22] =	ssyncadd.s32 s4;
	_ =	sdelay $0x1  }
0xa1: {  	s23 =	simm.s32 $0x1B8B  }
0xa2: {  	_ =	swait.ge [sflag:s23], $0x1  }
0xa3: {  	[sflag:s23] =	ssyncset.done $0x0  }
0xa4: {  	s25 =	simm.s32 $0x1B8E;
	s24 =	sld [smem:$0x3FFE];
	[sflag:s23] =	ssyncadd.s32 $0xFFFFFFFF  }
0xa5: {  	s26 =	simm.s32 $execute0_lowered;
	[smem:$0x3FD2] =	sst s25  }
0xa6: {  	s5 =	sshll.u32 s26, $0x1;
	_ =	strace $0x80000049;
	[dreg:$0x1] =	wrdreg $0xFFFFFFFF  }
0xa7: {  	s28 =	simm.s32 $_size_execute0_lowered;
	s3 =	sadd.s32 s3, s5;
	[dreg:$0x0] =	wrdreg $0x0  }
0xa8: {  	s5 =	sshll.u32 s28, $0x1;
	[dreg:$0x2] =	wrdreg s3  }
0xa9: {  	[dreg:$0x3] =	wrdreg s5  }
0xaa: {  	[dreg:$0x4] =	wrdreg $0xC0  }
0xab: {  	_ =	task [dreg:s7], $0x5FFFF  }
0xac: {  	[dreg:$0x1] =	wrdreg $0xFFFFFFFF  }
0xad: {  	[dreg:$0x0] =	wrdreg $0x60  }
0xae: {  	[dreg:$0x2] =	wrdreg s2  }
0xaf: {  	[dreg:$0x3] =	wrdreg s24  }
0xb0: {  	[dreg:$0x4] =	wrdreg $0x0  }
0xb1: {  	[dreg:$0x5] =	wrdreg $0x9  }
0xb2: {  	_ =	task.clear_ibuf [dreg:s7], $0x6FFFF;
	_ =	strace $0x90000049  }
0xb3: {  	s29 =	simm.s32 $0x9;
	_ =	strace $0x8000004B  }
0xb4: {  	_ =	swait.ge [sflag:s29], $0x1  }
0xb5: {  	[sflag:s29] =	ssyncadd.s32 $0xFFFFFFFF  }
0xb6: {  	_ =	strace $0x9000004B  }
0xb7: {  	_ =	sfence  }
0xb8: {  	s30 =	sld [smem:$0x0];
	_ =	sdelay $0x2  }
0xb9: {  	s31 =	sshll.u32 s1, $0xD;
	s1 =	sshrl.u32 s1, $0x2  }
0xba: {  	s3 =	sand.u32 $0x4000, s31;
	s1 =	sadd.s32 s1, s30  }
0xbb: {  	s0 =	sor.u32 s3, s0;
	s1 =	sshll.u32 s1, $0x11  }
0xbc: {  	s0 =	sor.u32 s1, s0  }
0xbd: {  	s0 =	sadd.s32 $0x8F2B, s0  }
0xbe: {  	[sflag:s0] =	ssyncadd.remote.s32 $0x1  }
0xbf: {  	_ =	sfence.sel $0xFFFF  }
0xc0: {  	[dreg:$0x0] =	wrdreg $0xFFFFFFFF;
	(pc) =	sbr.abs _section_cstart, $3  }
0xc1: {  	[dreg:$0x1] =	wrdreg $0xFFFFFFFF  }
0xc2: {  	_ =	task.clear_ibuf [dreg:s7], $0x2FFFF;
	_ =	strace $0x9FFFFFFF  }
0xc3: {  	(tm) =	ssettm $0x7FFFFFFF  }
tec
execute0_lowered:
.L_overlay_start_1:
0x0: {  	(tag) =	ssettag $0x1  }
0x1: {  	s2 =	rddreg [dreg:$0x0]  }
0x2: {  	s0 =	rddreg [dreg:$0x1]  }
0x3: {  	s3 =	rddreg [dreg:$0x2];
	s8 =	stileid.u32;
	s9 =	simm.s32 $0x0  }
0x4: {  	s1 =	srdreg.scid;
	s28 =	simm.s32 $0x14000;
	s30 =	simm.s32 $0x18F00  }
0x5: {  	s31 =	simm.s32 $0x1;
	s29 =	simm.s32 $0x3;
	s10 =	simm.s32 $0x1CB00  }
0x6: {  	s11 =	simm.s32 $0x1DF00;
	s4 =	sshrl.u32 s8, $0x2;
	s1 =	sand.u32 $0x1, s1  }
0x7: {  	s5 =	sshll.u32 s8, $0x8;
	[smem:$0x7FF] =	sst s9;
	s12 =	smul.u32 $0x14000, s8  }
0x8: {  	s14 =	smul.u32 $0x50000, s8;
	s8 =	simm.s32 $0x1A300;
	s9 =	simm.s32 $0x1B700  }
0x9: {  	s4 =	smul.u32 $0x13C00, s4;
	s6 =	sshll.u32 s1, $0x7;
	s5 =	sand.u32 $0x300, s5  }
0xa: {  	s7 =	smul.u32 $0x140000, s1;
	s5 =	sor.u32 s6, s5;
	s6 =	sshrl.u32 s14, $0x2  }
0xb: {  	_ =	strace $0x8000004A;
	s1 =	ssub.s32 $0x2, s1;
	s6 =	sadd.s32 s6, s3  }
0xc: {  	s15 =	sshrl.u32 s1, $0x1;
	s4 =	sor.u32 s4, s5;
	s17 =	sadd.s32 $0x1400, s6  }
0xd: {  	s13 =	sadd.s32 s12, s7;
	s18 =	sadd.s32 $0x2800, s6;
	[dreg:$0x6] =	wrdreg s17  }
0xe: {  	s1 =	ssub.s32 s1, s15;
	s19 =	sadd.s32 $0x3C00, s6;
	[dreg:$0x7] =	wrdreg s18  }
0xf: {  	s7 =	simm.s32 $0x28;
	s20 =	sadd.s32 $0x5000, s6;
	[dreg:$0x8] =	wrdreg s19  }
0x10: {  	s12 =	simm.s32 $0x7;
	s21 =	sadd.s32 $0x6400, s6;
	[dreg:$0x9] =	wrdreg s20  }
0x11: {  	s4 =	sshrl.u32 s4, $0x3;
	s22 =	sadd.s32 $0x7800, s6;
	[dreg:$0xa] =	wrdreg s21  }
0x12: {  	s5 =	sshrl.u32 s13, $0x3;
	s23 =	sadd.s32 $0x8C00, s6;
	[dreg:$0xb] =	wrdreg s22  }
0x13: {  	s24 =	sadd.s32 $0xA000, s6;
	s25 =	sadd.s32 $0xB400, s6;
	[dreg:$0xc] =	wrdreg s23  }
0x14: {  	s26 =	sadd.s32 $0xC800, s6;
	s13 =	simm.s32 $0x0;
	[dreg:$0xd] =	wrdreg s24  }
0x15: {  	s4 =	sadd.s32 s4, s0;
	s0 =	sadd.s32 s5, s0;
	[dreg:$0xe] =	wrdreg s25  }
0x16: {  	[dreg:$0xf] =	wrdreg s26;
	s18 =	sadd.s32 $0xDC00, s6;
	s19 =	sadd.s32 $0xF000, s6  }
0x17: {  	s20 =	sadd.s32 $0x10400, s6;
	s21 =	sadd.s32 $0x11800, s6;
	s22 =	sadd.s32 $0x12C00, s6  }
0x18: {  	s24 =	smax.u32 s1, $0x1;
	s25 =	simm.s32 $0x80;
	s26 =	simm.s32 $0x400  }
0x19: {  	s1 =	simm.s32 $0x4;
	s5 =	simm.s32 $0x6;
	s16 =	sadd.s32 $0x15400, s4  }
0x1a: {  	s4 =	sadd.s32 $0x1F200, s4;
	s23 =	sadd.s32 $0x29000, s0;
	[dreg:$0x4] =	wrdreg s16  }
0x1b: {  	v0 =	vimm.f32 $0.0e+00;
	s0 =	simm.s32 $0x2;
	[dreg:$0x5] =	wrdreg s4;
	s4 =	simm.s32 $0x5  }
.LBB2_1:
0x1c: {  	s14 =	rddreg [dreg:$0x4]  }
0x1d: {  	[tilespmem:s28], [sflag:$0x6] =	stream.strided.gather [hbm4b:s14+s25], $0x2780, s26, s25, $0x38;
	[tilespmem:$0x1F300] =	vst v63  }
0x1e: {  	s17 =	rddreg [dreg:$0x5];
	s15 =	simm.s32 $0x16780;
	s16 =	simm.s32 $0x0  }
0x1f: {  	[tilespmem:s15], [sflag:$0x6] =	stream.strided.gather [hbm4b:s17+s25], $0x2780, s26, s25, $0x38;
	[tilespmem:$0x1F300] =	vst v63  }
0x20: {  	s17 =	sand.u32 $0x7E00, s16  }
0x21: {  	s15 =	sand.u32 $0x70, s16;
	s16 =	sshrl.u32 s17, $0x2  }
0x22: {  	s14 =	simm.s32 $0x40;
	s16 =	sor.u32 s15, s16;
	s15 =	simm.s32 $0x0  }
.LBB2_2:
0x23: {  	p0 =	sne.s32 s14, $0x4FC0  }
0x24: {  	[tilespmem:s16+$0x18F00] =	vst v0;
	s15 =	sadd.s32 $0x10, s15;
	s16 =	smov.u32 s14;
	s14 =	sadd.s32 $0x40, s14  }
.Ltmp0:
0x25: {  	(pc) =	sbr.rel @p0 .LBB2_2-.Ltmp0, $4  }
0x26: {  	_ = 	snop  }
0x27: {  	s16 =	sand.u32 $0x7E00, s16  }
0x28: {  	s17 =	sand.u32 $0x70, s15;
	s16 =	sshrl.u32 s16, $0x2  }
0x29: {  	s16 =	sor.u32 s17, s16  }
0x2a: {  	[tilespmem:s16+$0x18F00] =	vst v0  }
0x2b: {  	[spmem:s6] =	stream.linear.scatter [tilespmem:s30], [sflag:$0x1], $0x1400, $0x38;
	[tilespmem:$0x1F300] =	vst v63  }
0x2c: {  	s14 =	rddreg [dreg:$0x6]  }
0x2d: {  	[spmem:s14] =	stream.linear.scatter [tilespmem:s30], [sflag:$0x2], $0x1400, $0x38;
	[tilespmem:$0x1F300] =	vst v63  }
0x2e: {  	s17 =	rddreg [dreg:$0x7]  }
0x2f: {  	[spmem:s17] =	stream.linear.scatter [tilespmem:s30], [sflag:$0x3], $0x1400, $0x38;
	[tilespmem:$0x1F300] =	vst v63  }
0x30: {  	s15 =	rddreg [dreg:$0x8]  }
0x31: {  	[spmem:s15] =	stream.linear.scatter [tilespmem:s30], [sflag:$0x4], $0x1400, $0x38;
	[tilespmem:$0x1F300] =	vst v63  }
0x32: {  	s16 =	rddreg [dreg:$0x9]  }
0x33: {  	[spmem:s16] =	stream.linear.scatter [tilespmem:s30], [sflag:$0x5], $0x1400, $0x38;
	[tilespmem:$0x1F300] =	vst v63  }
0x34: {  	s17 =	rddreg [dreg:$0xa]  }
0x35: {  	[spmem:s17] =	stream.linear.scatter [tilespmem:s30], [sflag:$0x1], $0x1400, $0x38;
	[tilespmem:$0x1F300] =	vst v63  }
0x36: {  	s15 =	rddreg [dreg:$0xb]  }
0x37: {  	[spmem:s15] =	stream.linear.scatter [tilespmem:s30], [sflag:$0x2], $0x1400, $0x38;
	[tilespmem:$0x1F300] =	vst v63  }
0x38: {  	s16 =	rddreg [dreg:$0xc]  }
0x39: {  	[spmem:s16] =	stream.linear.scatter [tilespmem:s30], [sflag:$0x3], $0x1400, $0x38;
	[tilespmem:$0x1F300] =	vst v63  }
0x3a: {  	s17 =	rddreg [dreg:$0xd]  }
0x3b: {  	[spmem:s17] =	stream.linear.scatter [tilespmem:s30], [sflag:$0x4], $0x1400, $0x38;
	[tilespmem:$0x1F300] =	vst v63  }
0x3c: {  	s15 =	rddreg [dreg:$0xe]  }
0x3d: {  	[spmem:s15] =	stream.linear.scatter [tilespmem:s30], [sflag:$0x5], $0x1400, $0x38;
	[tilespmem:$0x1F300] =	vst v63  }
0x3e: {  	s16 =	rddreg [dreg:$0xf]  }
0x3f: {  	[spmem:s16] =	stream.linear.scatter [tilespmem:s30], [sflag:$0x1], $0x1400, $0x38;
	[tilespmem:$0x1F300] =	vst v63  }
0x40: {  	_ = 	snop  }
0x41: {  	[spmem:s18] =	stream.linear.scatter [tilespmem:s30], [sflag:$0x2], $0x1400, $0x38;
	[tilespmem:$0x1F300] =	vst v63  }
0x42: {  	_ = 	snop  }
0x43: {  	[spmem:s19] =	stream.linear.scatter [tilespmem:s30], [sflag:$0x3], $0x1400, $0x38;
	[tilespmem:$0x1F300] =	vst v63  }
0x44: {  	_ = 	snop  }
0x45: {  	[spmem:s20] =	stream.linear.scatter [tilespmem:s30], [sflag:$0x4], $0x1400, $0x38;
	[tilespmem:$0x1F300] =	vst v63  }
0x46: {  	_ = 	snop  }
0x47: {  	[spmem:s21] =	stream.linear.scatter [tilespmem:s30], [sflag:$0x5], $0x1400, $0x38;
	[tilespmem:$0x1F300] =	vst v63  }
0x48: {  	_ = 	snop  }
0x49: {  	[spmem:s22] =	stream.linear.scatter [tilespmem:s30], [sflag:$0x1], $0x1400, $0x38;
	[tilespmem:$0x1F300] =	vst v63  }
0x4a: {  	_ =	swait.ge [sflag:s31], $0x1400  }
0x4b: {  	[sflag:s31] =	ssyncset.done $0x0  }
0x4c: {  	[sflag:s31] =	ssyncadd.s32 $0xFFFFEC00  }
0x4d: {  	_ =	swait.ge [sflag:s0], $0x1400  }
0x4e: {  	[sflag:s0] =	ssyncset.done $0x0  }
0x4f: {  	[sflag:s0] =	ssyncadd.s32 $0xFFFFEC00  }
0x50: {  	_ =	swait.ge [sflag:s29], $0x1400  }
0x51: {  	[sflag:s29] =	ssyncset.done $0x0  }
0x52: {  	[sflag:s29] =	ssyncadd.s32 $0xFFFFEC00  }
0x53: {  	_ =	swait.ge [sflag:s1], $0x1400  }
0x54: {  	[sflag:s1] =	ssyncset.done $0x0  }
0x55: {  	[sflag:s1] =	ssyncadd.s32 $0xFFFFEC00  }
0x56: {  	_ =	swait.ge [sflag:s4], $0x1400  }
0x57: {  	[sflag:s4] =	ssyncset.done $0x0  }
0x58: {  	[sflag:s4] =	ssyncadd.s32 $0xFFFFEC00  }
0x59: {  	_ =	swait.ge [sflag:s31], $0x1400  }
0x5a: {  	[sflag:s31] =	ssyncset.done $0x0  }
0x5b: {  	[sflag:s31] =	ssyncadd.s32 $0xFFFFEC00  }
0x5c: {  	_ =	swait.ge [sflag:s0], $0x1400  }
0x5d: {  	[sflag:s0] =	ssyncset.done $0x0  }
0x5e: {  	[sflag:s0] =	ssyncadd.s32 $0xFFFFEC00  }
0x5f: {  	_ =	swait.ge [sflag:s29], $0x1400  }
0x60: {  	[sflag:s29] =	ssyncset.done $0x0  }
0x61: {  	[sflag:s29] =	ssyncadd.s32 $0xFFFFEC00  }
0x62: {  	_ =	swait.ge [sflag:s1], $0x1400  }
0x63: {  	[sflag:s1] =	ssyncset.done $0x0  }
0x64: {  	[sflag:s1] =	ssyncadd.s32 $0xFFFFEC00  }
0x65: {  	_ =	swait.ge [sflag:s4], $0x1400  }
0x66: {  	[sflag:s4] =	ssyncset.done $0x0  }
0x67: {  	[sflag:s4] =	ssyncadd.s32 $0xFFFFEC00  }
0x68: {  	_ =	swait.ge [sflag:s31], $0x1400  }
0x69: {  	[sflag:s31] =	ssyncset.done $0x0  }
0x6a: {  	[sflag:s31] =	ssyncadd.s32 $0xFFFFEC00  }
0x6b: {  	_ =	swait.ge [sflag:s0], $0x1400  }
0x6c: {  	[sflag:s0] =	ssyncset.done $0x0  }
0x6d: {  	[sflag:s0] =	ssyncadd.s32 $0xFFFFEC00  }
0x6e: {  	_ =	swait.ge [sflag:s29], $0x1400  }
0x6f: {  	[sflag:s29] =	ssyncset.done $0x0  }
0x70: {  	[sflag:s29] =	ssyncadd.s32 $0xFFFFEC00  }
0x71: {  	_ =	swait.ge [sflag:s1], $0x1400  }
0x72: {  	[sflag:s1] =	ssyncset.done $0x0  }
0x73: {  	[sflag:s1] =	ssyncadd.s32 $0xFFFFEC00  }
0x74: {  	_ =	swait.ge [sflag:s4], $0x1400  }
0x75: {  	[sflag:s4] =	ssyncset.done $0x0  }
0x76: {  	[sflag:s4] =	ssyncadd.s32 $0xFFFFEC00  }
0x77: {  	_ =	swait.ge [sflag:s31], $0x1400  }
0x78: {  	[sflag:s31] =	ssyncset.done $0x0  }
0x79: {  	[sflag:s31] =	ssyncadd.s32 $0xFFFFEC00  }
0x7a: {  	_ =	swait.ge [sflag:s5], $0x2780  }
0x7b: {  	[sflag:s5] =	ssyncset.done $0x0  }
0x7c: {  	[sflag:s5] =	ssyncadd.s32 $0xFFFFD880  }
0x7d: {  	_ =	swait.ge [sflag:s5], $0x2780  }
0x7e: {  	[sflag:s5] =	ssyncset.done $0x0  }
0x7f: {  	[sflag:s5] =	ssyncadd.s32 $0xFFFFD880  }
0x80: {  	[bflag:$0x0] =	sbarrier.arrive $0xFFFF  }
0x81: {  	[tilespmem:s30], [sflag:$0x1] =	stream.indirect.gather [hbm4b:s2+s7], $0x80, s28, s7, $0xb8;
	[tilespmem:$0x1F300] =	vst v63  }
0x82: {  	s17 =	simm.s32 $0x14028  }
0x83: {  	[tilespmem:s8], [sflag:$0x2] =	stream.indirect.gather [hbm4b:s2+s7], $0x80, s17, s7, $0xb8;
	[tilespmem:$0x1F300] =	vst v63  }
0x84: {  	s15 =	simm.s32 $0x14050  }
0x85: {  	[tilespmem:s9], [sflag:$0x3] =	stream.indirect.gather [hbm4b:s2+s7], $0x80, s15, s7, $0xb8;
	[tilespmem:$0x1F300] =	vst v63  }
0x86: {  	s16 =	simm.s32 $0x14078  }
0x87: {  	[tilespmem:s10], [sflag:$0x4] =	stream.indirect.gather [hbm4b:s2+s7], $0x80, s16, s7, $0xb8;
	[tilespmem:$0x1F300] =	vst v63  }
0x88: {  	s17 =	simm.s32 $0x140A0  }
0x89: {  	[tilespmem:s11], [sflag:$0x5] =	stream.indirect.gather [hbm4b:s2+s7], $0x80, s17, s7, $0xb8;
	[tilespmem:$0x1F300] =	vst v63  }
0x8a: {  	_ =	swait.ge [sflag:s31], $0x1400  }
0x8b: {  	[sflag:s31] =	ssyncset.done $0x0  }
0x8c: {  	s15 =	simm.s32 $0x16780;
	[sflag:s31] =	ssyncadd.s32 $0xFFFFEC00  }
0x8d: {  	[spmem:s3] =	stream.indirect.scatter.add.f32 [tilespmem:s30], [sflag:$0x7], $0x80, s15, s7, $0xb8;
	[tilespmem:$0x1F300] =	vst v63  }
0x8e: {  	_ =	swait.ge [sflag:s12], $0x1400  }
0x8f: {  	[sflag:s12] =	ssyncset.done $0x0  }
0x90: {  	s16 =	simm.s32 $0x140C8;
	[sflag:s12] =	ssyncadd.s32 $0xFFFFEC00  }
0x91: {  	[tilespmem:s30], [sflag:$0x1] =	stream.indirect.gather [hbm4b:s2+s7], $0x80, s16, s7, $0xb8;
	[tilespmem:$0x1F300] =	vst v63  }
0x92: {  	_ =	swait.ge [sflag:s0], $0x1400  }
0x93: {  	[sflag:s0] =	ssyncset.done $0x0  }
0x94: {  	s17 =	simm.s32 $0x167A8;
	[sflag:s0] =	ssyncadd.s32 $0xFFFFEC00  }
0x95: {  	[spmem:s3] =	stream.indirect.scatter.add.f32 [tilespmem:s8], [sflag:$0x7], $0x80, s17, s7, $0xb8;
	[tilespmem:$0x1F300] =	vst v63  }
0x96: {  	_ =	swait.ge [sflag:s12], $0x1400  }
0x97: {  	[sflag:s12] =	ssyncset.done $0x0  }
0x98: {  	s15 =	simm.s32 $0x140F0;
	[sflag:s12] =	ssyncadd.s32 $0xFFFFEC00  }
0x99: {  	[tilespmem:s8], [sflag:$0x2] =	stream.indirect.gather [hbm4b:s2+s7], $0x80, s15, s7, $0xb8;
	[tilespmem:$0x1F300] =	vst v63  }
0x9a: {  	_ =	swait.ge [sflag:s29], $0x1400  }
0x9b: {  	[sflag:s29] =	ssyncset.done $0x0  }
0x9c: {  	s16 =	simm.s32 $0x167D0;
	[sflag:s29] =	ssyncadd.s32 $0xFFFFEC00  }
0x9d: {  	[spmem:s3] =	stream.indirect.scatter.add.f32 [tilespmem:s9], [sflag:$0x7], $0x80, s16, s7, $0xb8;
	[tilespmem:$0x1F300] =	vst v63  }
0x9e: {  	_ =	swait.ge [sflag:s12], $0x1400  }
0x9f: {  	[sflag:s12] =	ssyncset.done $0x0  }
0xa0: {  	s17 =	simm.s32 $0x14118;
	[sflag:s12] =	ssyncadd.s32 $0xFFFFEC00  }
0xa1: {  	[tilespmem:s9], [sflag:$0x3] =	stream.indirect.gather [hbm4b:s2+s7], $0x80, s17, s7, $0xb8;
	[tilespmem:$0x1F300] =	vst v63  }
0xa2: {  	_ =	swait.ge [sflag:s1], $0x1400  }
0xa3: {  	[sflag:s1] =	ssyncset.done $0x0  }
0xa4: {  	s15 =	simm.s32 $0x167F8;
	[sflag:s1] =	ssyncadd.s32 $0xFFFFEC00  }
0xa5: {  	[spmem:s3] =	stream.indirect.scatter.add.f32 [tilespmem:s10], [sflag:$0x7], $0x80, s15, s7, $0xb8;
	[tilespmem:$0x1F300] =	vst v63  }
0xa6: {  	_ =	swait.ge [sflag:s12], $0x1400  }
0xa7: {  	[sflag:s12] =	ssyncset.done $0x0  }
0xa8: {  	s16 =	simm.s32 $0x14140;
	[sflag:s12] =	ssyncadd.s32 $0xFFFFEC00  }
0xa9: {  	[tilespmem:s10], [sflag:$0x4] =	stream.indirect.gather [hbm4b:s2+s7], $0x80, s16, s7, $0xb8;
	[tilespmem:$0x1F300] =	vst v63  }
0xaa: {  	_ =	swait.ge [sflag:s4], $0x1400  }
0xab: {  	[sflag:s4] =	ssyncset.done $0x0  }
0xac: {  	s17 =	simm.s32 $0x16820;
	[sflag:s4] =	ssyncadd.s32 $0xFFFFEC00  }
0xad: {  	[spmem:s3] =	stream.indirect.scatter.add.f32 [tilespmem:s11], [sflag:$0x7], $0x80, s17, s7, $0xb8;
	[tilespmem:$0x1F300] =	vst v63  }
0xae: {  	_ =	swait.ge [sflag:s12], $0x1400  }
0xaf: {  	[sflag:s12] =	ssyncset.done $0x0  }
0xb0: {  	s14 =	simm.s32 $0x320;
	s15 =	simm.s32 $0x14168;
	[sflag:s12] =	ssyncadd.s32 $0xFFFFEC00  }
.LBB2_4:
0xb1: {  	[tilespmem:s11], [sflag:$0x5] =	stream.indirect.gather [hbm4b:s2+s7], $0x80, s15, s7, $0xb8;
	[tilespmem:$0x1F300] =	vst v63  }
0xb2: {  	s15 =	smov.u32 s14  }
0xb3: {  	p0 =	sne.s32 s14, $0x9600;
	s14 =	sadd.s32 $0x320, s14;
	_ =	swait.ge [sflag:s31], $0x1400  }
0xb4: {  	s15 =	sshra.s32 s15, $0x2;
	[sflag:s31] =	ssyncset.done $0x0  }
0xb5: {  	s16 =	sadd.s32 $0x16780, s15;
	[sflag:s31] =	ssyncadd.s32 $0xFFFFEC00  }
0xb6: {  	[spmem:s3] =	stream.indirect.scatter.add.f32 [tilespmem:s30], [sflag:$0x7], $0x80, s16, s7, $0xb8;
	[tilespmem:$0x1F300] =	vst v63  }
0xb7: {  	_ =	swait.ge [sflag:s12], $0x1400  }
0xb8: {  	[sflag:s12] =	ssyncset.done $0x0  }
0xb9: {  	s16 =	sadd.s32 $0x140C8, s15;
	[sflag:s12] =	ssyncadd.s32 $0xFFFFEC00  }
0xba: {  	[tilespmem:s30], [sflag:$0x1] =	stream.indirect.gather [hbm4b:s2+s7], $0x80, s16, s7, $0xb8;
	[tilespmem:$0x1F300] =	vst v63  }
0xbb: {  	_ =	swait.ge [sflag:s0], $0x1400  }
0xbc: {  	[sflag:s0] =	ssyncset.done $0x0  }
0xbd: {  	s16 =	sadd.s32 $0x167A8, s15;
	[sflag:s0] =	ssyncadd.s32 $0xFFFFEC00  }
0xbe: {  	[spmem:s3] =	stream.indirect.scatter.add.f32 [tilespmem:s8], [sflag:$0x7], $0x80, s16, s7, $0xb8;
	[tilespmem:$0x1F300] =	vst v63  }
0xbf: {  	_ =	swait.ge [sflag:s12], $0x1400  }
0xc0: {  	[sflag:s12] =	ssyncset.done $0x0  }
0xc1: {  	s16 =	sadd.s32 $0x140F0, s15;
	[sflag:s12] =	ssyncadd.s32 $0xFFFFEC00  }
0xc2: {  	[tilespmem:s8], [sflag:$0x2] =	stream.indirect.gather [hbm4b:s2+s7], $0x80, s16, s7, $0xb8;
	[tilespmem:$0x1F300] =	vst v63  }
0xc3: {  	_ =	swait.ge [sflag:s29], $0x1400  }
0xc4: {  	[sflag:s29] =	ssyncset.done $0x0  }
0xc5: {  	s16 =	sadd.s32 $0x167D0, s15;
	[sflag:s29] =	ssyncadd.s32 $0xFFFFEC00  }
0xc6: {  	[spmem:s3] =	stream.indirect.scatter.add.f32 [tilespmem:s9], [sflag:$0x7], $0x80, s16, s7, $0xb8;
	[tilespmem:$0x1F300] =	vst v63  }
0xc7: {  	_ =	swait.ge [sflag:s12], $0x1400  }
0xc8: {  	[sflag:s12] =	ssyncset.done $0x0  }
0xc9: {  	s16 =	sadd.s32 $0x14118, s15;
	[sflag:s12] =	ssyncadd.s32 $0xFFFFEC00  }
0xca: {  	[tilespmem:s9], [sflag:$0x3] =	stream.indirect.gather [hbm4b:s2+s7], $0x80, s16, s7, $0xb8;
	[tilespmem:$0x1F300] =	vst v63  }
0xcb: {  	_ =	swait.ge [sflag:s1], $0x1400  }
0xcc: {  	[sflag:s1] =	ssyncset.done $0x0  }
0xcd: {  	s16 =	sadd.s32 $0x167F8, s15;
	[sflag:s1] =	ssyncadd.s32 $0xFFFFEC00  }
0xce: {  	[spmem:s3] =	stream.indirect.scatter.add.f32 [tilespmem:s10], [sflag:$0x7], $0x80, s16, s7, $0xb8;
	[tilespmem:$0x1F300] =	vst v63  }
0xcf: {  	_ =	swait.ge [sflag:s12], $0x1400  }
0xd0: {  	[sflag:s12] =	ssyncset.done $0x0  }
0xd1: {  	s16 =	sadd.s32 $0x14140, s15;
	[sflag:s12] =	ssyncadd.s32 $0xFFFFEC00  }
0xd2: {  	[tilespmem:s10], [sflag:$0x4] =	stream.indirect.gather [hbm4b:s2+s7], $0x80, s16, s7, $0xb8;
	[tilespmem:$0x1F300] =	vst v63  }
0xd3: {  	_ =	swait.ge [sflag:s4], $0x1400  }
0xd4: {  	[sflag:s4] =	ssyncset.done $0x0  }
.Ltmp1:
0xd5: {  	s16 =	sadd.s32 $0x16820, s15;
	[sflag:s4] =	ssyncadd.s32 $0xFFFFEC00;
	(pc) =	sbr.rel @p0 .LBB2_4-.Ltmp1, $4  }
0xd6: {  	[spmem:s3] =	stream.indirect.scatter.add.f32 [tilespmem:s11], [sflag:$0x7], $0x80, s16, s7, $0xb8;
	[tilespmem:$0x1F300] =	vst v63  }
0xd7: {  	_ =	swait.ge [sflag:s12], $0x1400  }
0xd8: {  	[sflag:s12] =	ssyncset.done $0x0  }
0xd9: {  	s15 =	sadd.s32 $0x14168, s15;
	[sflag:s12] =	ssyncadd.s32 $0xFFFFEC00  }
0xda: {  	[tilespmem:s11], [sflag:$0x5] =	stream.indirect.gather [hbm4b:s2+s7], $0x80, s15, s7, $0xb8;
	[tilespmem:$0x1F300] =	vst v63  }
0xdb: {  	_ =	swait.ge [sflag:s31], $0x1400  }
0xdc: {  	[sflag:s31] =	ssyncset.done $0x0  }
0xdd: {  	s14 =	simm.s32 $0x18DC8;
	[sflag:s31] =	ssyncadd.s32 $0xFFFFEC00  }
0xde: {  	[spmem:s3] =	stream.indirect.scatter.add.f32 [tilespmem:s30], [sflag:$0x7], $0x80, s14, s7, $0xb8;
	[tilespmem:$0x1F300] =	vst v63  }
0xdf: {  	_ =	swait.ge [sflag:s12], $0x1400  }
0xe0: {  	[sflag:s12] =	ssyncset.done $0x0  }
0xe1: {  	[sflag:s12] =	ssyncadd.s32 $0xFFFFEC00  }
0xe2: {  	_ =	swait.ge [sflag:s0], $0x1400  }
0xe3: {  	[sflag:s0] =	ssyncset.done $0x0  }
0xe4: {  	s15 =	simm.s32 $0x18DF0;
	[sflag:s0] =	ssyncadd.s32 $0xFFFFEC00  }
0xe5: {  	[spmem:s3] =	stream.indirect.scatter.add.f32 [tilespmem:s8], [sflag:$0x7], $0x80, s15, s7, $0xb8;
	[tilespmem:$0x1F300] =	vst v63  }
0xe6: {  	_ =	swait.ge [sflag:s12], $0x1400  }
0xe7: {  	[sflag:s12] =	ssyncset.done $0x0  }
0xe8: {  	[sflag:s12] =	ssyncadd.s32 $0xFFFFEC00  }
0xe9: {  	_ =	swait.ge [sflag:s29], $0x1400  }
0xea: {  	[sflag:s29] =	ssyncset.done $0x0  }
0xeb: {  	s16 =	simm.s32 $0x18E18;
	[sflag:s29] =	ssyncadd.s32 $0xFFFFEC00  }
0xec: {  	[spmem:s3] =	stream.indirect.scatter.add.f32 [tilespmem:s9], [sflag:$0x7], $0x80, s16, s7, $0xb8;
	[tilespmem:$0x1F300] =	vst v63  }
0xed: {  	_ =	swait.ge [sflag:s12], $0x1400  }
0xee: {  	[sflag:s12] =	ssyncset.done $0x0  }
0xef: {  	[sflag:s12] =	ssyncadd.s32 $0xFFFFEC00  }
0xf0: {  	_ =	swait.ge [sflag:s1], $0x1400  }
0xf1: {  	[sflag:s1] =	ssyncset.done $0x0  }
0xf2: {  	s17 =	simm.s32 $0x18E40;
	[sflag:s1] =	ssyncadd.s32 $0xFFFFEC00  }
0xf3: {  	[spmem:s3] =	stream.indirect.scatter.add.f32 [tilespmem:s10], [sflag:$0x7], $0x80, s17, s7, $0xb8;
	[tilespmem:$0x1F300] =	vst v63  }
0xf4: {  	_ =	swait.ge [sflag:s12], $0x1400  }
0xf5: {  	[sflag:s12] =	ssyncset.done $0x0  }
0xf6: {  	[sflag:s12] =	ssyncadd.s32 $0xFFFFEC00  }
0xf7: {  	_ =	swait.ge [sflag:s4], $0x1400  }
0xf8: {  	[sflag:s4] =	ssyncset.done $0x0  }
0xf9: {  	s15 =	simm.s32 $0x18E68;
	[sflag:s4] =	ssyncadd.s32 $0xFFFFEC00  }
0xfa: {  	[spmem:s3] =	stream.indirect.scatter.add.f32 [tilespmem:s11], [sflag:$0x7], $0x80, s15, s7, $0xb8;
	[tilespmem:$0x1F300] =	vst v63  }
0xfb: {  	s16 =	stileid.u32;
	_ =	swait.ge [sflag:s12], $0x1400  }
0xfc: {  	s13 =	sadd.s32 $0x1, s13;
	s14 =	sshll.u32 s16, $0x6;
	[sflag:s12] =	ssyncset.done $0x0  }
0xfd: {  	p0 =	sne.s32 s13, s24;
	s14 =	sor.u32 $0x1C07, s14;
	[sflag:s12] =	ssyncadd.s32 $0xFFFFEC00  }
.Ltmp2:
0xfe: {  	s17 =	sshrl.u32 s6, $0x3;
	[bflag:$0x0] =	sbarrier.arrive $0xFFFF;
	(pc) =	sbr.rel @p0 .LBB2_1-.Ltmp2, $4  }
0xff: {  	[hbm:s23], [sflag:s14] =	dma.local [spmem:s17], $0x2800  }
0x100: {  	_ =	swait.ge [sflag:s12], $0x2800  }
0x101: {  	[sflag:s12] =	ssyncset.done $0x0  }
0x102: {  	[sflag:s12] =	ssyncadd.s32 $0xFFFFD800  }
0x103: {  	_ =	sfence.sel $0x180000  }
0x104: {  	[bflag:$0x0] =	sbarrier.arrive $0xFFFF  }
0x105: {  	_ =	strace $0x9000004A  }
0x106: {  	s0 =	stileid.u32;
	[bflag:$0x2] =	sbarrier.arrive $0xFFFF  }
0x107: {  	p0 =	sne.s32 s0, $0x0;
	s0 =	rddreg [dreg:$0x3]  }
0x108: {  	s0 =	sadd.s32 @!p0 $0x100000, s0  }
0x109: {  	[sflag:s0] =	ssyncadd.tile.s32 @!p0 $0x1;
	_ =	shalt  }
.Lfunc_end2:
_tile_overlayer_lowered:
.L_overlay_start_2:
0x10a: {  	(tag) =	ssettag $0x2  }
0x10b: {  	s0 =	rddreg [dreg:$0x0];
	s2 =	stileid.u32  }
0x10c: {  	s1 =	rddreg [dreg:$0x1];
	p0 =	sne.s32 s2, $0x0  }
0x10d: {  	s3 =	rddreg [dreg:$0x2];
	[bflag:$0x3] =	sbarrier.arrive $0xFFFF;
	s2 =	simm.s32 @!p0 $0x1C07  }
0x10e: {  	[timem:s3], [sflag:s2] =	dma.local @!p0 [hbm:s0], s1  }
0x10f: {  	s0 =	simm.s32 @!p0 $0x7  }
0x110: {  	_ =	swait.ge @!p0 [sflag:s0], s1  }
0x111: {  	s1 =	ssub.s32 @!p0 $0x0, s1;
	[sflag:s0] =	ssyncset.done @!p0 $0x0  }
0x112: {  	[sflag:s0] =	ssyncadd.s32 @!p0 s1  }
0x113: {  	[bflag:$0x3] =	sbarrier.arrive $0xFFFF  }
0x114: {  	_ =	shalt  }

</sc_bundles>
